<compile_context>
chip_gen: v7x
topology: tpu7x:2x2x1
jax: 0.10.2.dev20260603
libtpu: 0.0.44.dev20260713+nightly
codegen_flags: <defaults>
</compile_context>

<pallas_src>
import functools

import jax
import jax.numpy as jnp
from jax import lax
from jax.experimental import pallas as pl
from jax.experimental.pallas import tpu as pltpu
from jax.experimental.pallas import tpu_sc as plsc

_N = 10000
_NPAD = 10240
_E = 320000
_NC = 2
_NS = 16
_NW = _NC * _NS
_EPW = _E // _NW
_CH = 128
_NCH = -(-_EPW // _CH)
_PADE = _NCH * _CH - _EPW
_DUMP = _NPAD - _N
_RPS = _NPAD // _NS
_DEGW = 16


def _sc_scatter_rows(D):
    mesh = plsc.VectorSubcoreMesh(core_axis_name="c", subcore_axis_name="s")

    def body(y_hbm, srcw, dstw, zeros_hbm, out_hbm, src_v, dst_v, rows_v, accum, sem):
        c = lax.axis_index("c")
        s = lax.axis_index("s")
        wid = s * _NC + c
        pltpu.sync_copy(srcw.at[wid], src_v)
        pltpu.sync_copy(dstw.at[wid], dst_v)
        pltpu.sync_copy(zeros_hbm.at[pl.ds(s * _RPS, _RPS)],
                        accum.at[pl.ds(s * _RPS, _RPS)])
        plsc.subcore_barrier()

        def step(j, carry):
            pltpu.async_copy(y_hbm.at[src_v.at[j]], rows_v, sem).wait()
            pltpu.sync_copy(rows_v, accum.at[dst_v.at[j]], add=True)
            return carry

        lax.fori_loop(0, _NCH, step, 0)
        plsc.subcore_barrier()
        pltpu.sync_copy(accum.at[pl.ds(s * _RPS, _RPS)],
                        out_hbm.at[c, pl.ds(s * _RPS, _RPS)])

    return pl.kernel(
        body,
        out_type=jax.ShapeDtypeStruct((_NC, _NPAD, D), jnp.float32),
        mesh=mesh,
        compiler_params=pltpu.CompilerParams(use_tc_tiling_on_sc=False),
        scratch_types=[
            pltpu.VMEM((_NCH, _CH), jnp.int32),
            pltpu.VMEM((_NCH, _CH), jnp.int32),
            pltpu.VMEM((_CH, D), jnp.float32),
            pltpu.VMEM_SHARED((_NPAD, D), jnp.float32),
            pltpu.SemaphoreType.DMA,
        ],
    )


def _sc_degree():
    mesh = plsc.VectorSubcoreMesh(core_axis_name="c", subcore_axis_name="s")

    def body(ones_hbm, dstw, zeros_hbm, out_hbm, dst_v, ones_v, accum, sem):
        c = lax.axis_index("c")
        s = lax.axis_index("s")
        wid = s * _NC + c
        pltpu.sync_copy(dstw.at[wid], dst_v)
        pltpu.sync_copy(ones_hbm, ones_v)
        pltpu.sync_copy(zeros_hbm.at[pl.ds(s * _RPS, _RPS)],
                        accum.at[pl.ds(s * _RPS, _RPS)])
        plsc.subcore_barrier()

        def step(j, carry):
            pltpu.sync_copy(ones_v, accum.at[dst_v.at[j]], add=True)
            return carry

        lax.fori_loop(0, _NCH, step, 0)
        plsc.subcore_barrier()
        pltpu.sync_copy(accum.at[pl.ds(s * _RPS, _RPS)],
                        out_hbm.at[c, pl.ds(s * _RPS, _RPS)])

    return pl.kernel(
        body,
        out_type=jax.ShapeDtypeStruct((_NC, _NPAD, _DEGW), jnp.float32),
        mesh=mesh,
        compiler_params=pltpu.CompilerParams(use_tc_tiling_on_sc=False),
        scratch_types=[
            pltpu.VMEM((_NCH, _CH), jnp.int32),
            pltpu.VMEM((_CH, _DEGW), jnp.float32),
            pltpu.VMEM_SHARED((_NPAD, _DEGW), jnp.float32),
            pltpu.SemaphoreType.DMA,
        ],
    )


_ROWS_BLK = 1024
_GRID = _NPAD // _ROWS_BLK


def _dis_block(degp_ref):
    deg = degp_ref[0, :, 0:1] + degp_ref[1, :, 0:1] + 1.0
    return lax.rsqrt(deg)


def _tc_first(x, W, degp):
    Din, Dout = W.shape

    def body(x_ref, w_ref, degp_ref, o_ref):
        dis = _dis_block(degp_ref)
        o_ref[...] = dis * jnp.dot(x_ref[...], w_ref[...],
                                   preferred_element_type=jnp.float32)

    return pl.pallas_call(
        body,
        grid=(_GRID,),
        in_specs=[
            pl.BlockSpec((_ROWS_BLK, Din), lambda r: (r, 0)),
            pl.BlockSpec((Din, Dout), lambda r: (0, 0)),
            pl.BlockSpec((2, _ROWS_BLK, _DEGW), lambda r: (0, r, 0)),
        ],
        out_specs=pl.BlockSpec((_ROWS_BLK, Dout), lambda r: (r, 0)),
        out_shape=jax.ShapeDtypeStruct((_NPAD, Dout), jnp.float32),
    )(x, W, degp)


def _tc_mid(p, yprev, b, W, degp):
    Din, Dout = W.shape

    def body(p_ref, y_ref, b_ref, w_ref, degp_ref, o_ref):
        dis = _dis_block(degp_ref)
        acc = p_ref[0] + p_ref[1] + y_ref[...]
        h = jnp.maximum(dis * acc + b_ref[...], 0.0)
        o_ref[...] = dis * jnp.dot(h, w_ref[...],
                                   preferred_element_type=jnp.float32)

    return pl.pallas_call(
        body,
        grid=(_GRID,),
        in_specs=[
            pl.BlockSpec((2, _ROWS_BLK, Din), lambda r: (0, r, 0)),
            pl.BlockSpec((_ROWS_BLK, Din), lambda r: (r, 0)),
            pl.BlockSpec((1, Din), lambda r: (0, 0)),
            pl.BlockSpec((Din, Dout), lambda r: (0, 0)),
            pl.BlockSpec((2, _ROWS_BLK, _DEGW), lambda r: (0, r, 0)),
        ],
        out_specs=pl.BlockSpec((_ROWS_BLK, Dout), lambda r: (r, 0)),
        out_shape=jax.ShapeDtypeStruct((_NPAD, Dout), jnp.float32),
    )(p, yprev, b.reshape(1, Din), W, degp)


def _tc_last(p, yprev, b, degp):
    Din = yprev.shape[1]

    def body(p_ref, y_ref, b_ref, degp_ref, o_ref):
        dis = _dis_block(degp_ref)
        acc = p_ref[0] + p_ref[1] + y_ref[...]
        o_ref[...] = jnp.maximum(dis * acc + b_ref[...], 0.0)

    return pl.pallas_call(
        body,
        grid=(_GRID,),
        in_specs=[
            pl.BlockSpec((2, _ROWS_BLK, Din), lambda r: (0, r, 0)),
            pl.BlockSpec((_ROWS_BLK, Din), lambda r: (r, 0)),
            pl.BlockSpec((1, Din), lambda r: (0, 0)),
            pl.BlockSpec((2, _ROWS_BLK, _DEGW), lambda r: (0, r, 0)),
        ],
        out_specs=pl.BlockSpec((_ROWS_BLK, Din), lambda r: (r, 0)),
        out_shape=jax.ShapeDtypeStruct((_NPAD, Din), jnp.float32),
    )(p, yprev, b.reshape(1, Din), degp)


def kernel(x, edge_index, W1, b1, W3, b3, W4, b4, W2, b2):
    x_pad = jnp.pad(x, ((0, _NPAD - _N), (0, 0)))
    src2 = edge_index[0].reshape(_NW, _EPW)
    dst2 = edge_index[1].reshape(_NW, _EPW)
    pad_ids = jnp.arange(_NW * _PADE, dtype=jnp.int32)
    pad_src = (pad_ids * 97 % _N).reshape(_NW, _PADE)
    pad_dst = (_N + pad_ids % _DUMP).reshape(_NW, _PADE)
    srcw = jnp.concatenate([src2, pad_src], axis=1).reshape(_NW, _NCH, _CH)
    dstw = jnp.concatenate([dst2, pad_dst], axis=1).reshape(_NW, _NCH, _CH)

    ones_deg = jnp.ones((_CH, _DEGW), jnp.float32)
    zeros = {d: jnp.zeros((_NPAD, d), jnp.float32) for d in (16, 32, 64, 128)}

    degp = _sc_degree()(ones_deg, dstw, zeros[_DEGW])

    y1 = _tc_first(x_pad, W1, degp)
    p1 = _sc_scatter_rows(128)(y1, srcw, dstw, zeros[128])
    y2 = _tc_mid(p1, y1, b1, W3, degp)
    p2 = _sc_scatter_rows(64)(y2, srcw, dstw, zeros[64])
    y3 = _tc_mid(p2, y2, b3, W4, degp)
    p3 = _sc_scatter_rows(32)(y3, srcw, dstw, zeros[32])
    y4 = _tc_mid(p3, y3, b4, W2, degp)
    p4 = _sc_scatter_rows(16)(y4, srcw, dstw, zeros[16])
    out = _tc_last(p4, y4, b2, degp)
    return out[:_N]

# --- scband reference (transcript-rebuilt; emitter-appended) ---
"""Pipeline reference for scband-encoder-16415365005694 (READ-ONLY COPY).

The authoritative reference and input builder live on the scoring server;
editing this copy changes nothing except your own understanding.
"""

import jax, jax.numpy as jnp
import numpy as np

N = 10000
E = 320000
IN = 128
OC = 16


def _glorot(key, fan_in, fan_out):
    limit = np.sqrt(6.0 / (fan_in + fan_out))
    return jax.random.uniform(key, (fan_in, fan_out), minval=-limit, maxval=limit, dtype=jnp.float32)


def setup_inputs(seed: int = 0) -> dict:
    key = jax.random.key(seed)
    ks = jax.random.split(key, 10)
    x = jax.random.normal(ks[0], (N, IN), dtype=jnp.float32)
    edge_index = jax.random.randint(ks[1], (2, E), 0, N, dtype=jnp.int32)
    dims = [IN, 8 * OC, 4 * OC, 2 * OC, OC]
    W1 = _glorot(ks[2], dims[0], dims[1]); b1 = jnp.zeros((dims[1],), jnp.float32)
    W3 = _glorot(ks[3], dims[1], dims[2]); b3 = jnp.zeros((dims[2],), jnp.float32)
    W4 = _glorot(ks[4], dims[2], dims[3]); b4 = jnp.zeros((dims[3],), jnp.float32)
    W2 = _glorot(ks[5], dims[3], dims[4]); b2 = jnp.zeros((dims[4],), jnp.float32)
    return {"x": x, "edge_index": edge_index, "W1": W1, "b1": b1, "W3": W3, "b3": b3, "W4": W4, "b4": b4, "W2": W2, "b2": b2}


def _gcn_conv(x, src, dst, W, b):
    n = x.shape[0]
    xw = x @ W
    deg = jnp.zeros((n,), x.dtype).at[dst].add(1.0)
    dis = jnp.where(deg > 0, deg ** -0.5, 0.0)
    norm = dis[src] * dis[dst]
    msg = xw[src] * norm[:, None]
    out = jnp.zeros_like(xw).at[dst].add(msg)
    return out + b


def reference(x, edge_index, W1, b1, W3, b3, W4, b4, W2, b2):
    n = x.shape[0]
    loop = jnp.arange(n, dtype=edge_index.dtype)
    src = jnp.concatenate([edge_index[0], loop])
    dst = jnp.concatenate([edge_index[1], loop])
    h = jax.nn.relu(_gcn_conv(x, src, dst, W1, b1))
    h = jax.nn.relu(_gcn_conv(h, src, dst, W3, b3))
    h = jax.nn.relu(_gcn_conv(h, src, dst, W4, b4))
    h = jax.nn.relu(_gcn_conv(h, src, dst, W2, b2))
    # Dropout(p=0.5) is identity in eval mode
    return h

if __name__ == "__main__":
    import jax
    _d = setup_inputs()
    print(jax.jit(kernel)(*tuple(_d.values())))

</pallas_src>

<mosaic_0001>
#map = affine_map<(d0, d1) -> (0, 0)>
#map1 = affine_map<(d0, d1) -> (0, 0, 0)>
module attributes {stable_mosaic.version = 14 : i64} {
  func.func @body(%arg0: i32, %arg1: i32, %arg2: memref<10240x32xf32, #tpu.memory_space<hbm>>, %arg3: memref<32x79x128xi32, #tpu.memory_space<hbm>>, %arg4: memref<32x79x128xi32, #tpu.memory_space<hbm>>, %arg5: memref<10240x32xf32, #tpu.memory_space<hbm>>, %arg6: memref<2x10240x32xf32, #tpu.memory_space<hbm>>, %arg7: memref<79x128xi32, #tpu.memory_space<vmem>>, %arg8: memref<79x128xi32, #tpu.memory_space<vmem>>, %arg9: memref<128x32xf32, #tpu.memory_space<vmem>>, %arg10: memref<10240x32xf32, #tpu.memory_space<vmem_shared>>, %arg11: memref<!tpu.dma_semaphore, #tpu.memory_space<semaphore_mem>>) attributes {dimension_semantics = [#tpu.dimension_semantics<core_parallel>, #tpu.dimension_semantics<subcore_parallel>], iteration_bounds = array<i64: 2, 16>, scalar_prefetch = 0 : i64, scratch_operands = 5 : i64, tpu.core_type = #tpu.core_type<sc_vector_subcore>, window_params = [{transform_indices = #map}, {transform_indices = #map1}, {transform_indices = #map1}, {transform_indices = #map}, {transform_indices = #map1}]} {
    %mul3A = arith.constant 2 : i32
    %mul3A_0 = arith.muli %arg1, %mul3A : i32
    %add3A = arith.addi %mul3A_0, %arg0 : i32
    "tpu.region"() ({
      %run_scoped3A = tpu.sem_alloc : memref<!tpu.dma_semaphore, #tpu.memory_space<semaphore_mem>>
      %dma_start3A = arith.constant 0 : i32
      %dma_start3A_15 = arith.constant 0 : i32
      %dma_start3A_16 = tpu.memref_slice %arg3[%add3A, %dma_start3A, %dma_start3A_15] : memref<32x79x128xi32, #tpu.memory_space<hbm>> -> memref<1x79x128xi32, #tpu.memory_space<hbm>>
      %dma_start3A_17 = tpu.memref_squeeze %dma_start3A_16 : memref<1x79x128xi32, #tpu.memory_space<hbm>> -> memref<79x128xi32, #tpu.memory_space<hbm>>
      %dma_start3A_18 = arith.constant 0 : i32
      %dma_start3A_19 = arith.constant 0 : i32
      %dma_start3A_20 = tpu.memref_slice %arg3[%add3A, %dma_start3A_18, %dma_start3A_19] : memref<32x79x128xi32, #tpu.memory_space<hbm>> -> memref<1x79x128xi32, #tpu.memory_space<hbm>>
      %dma_start3A_21 = tpu.memref_squeeze %dma_start3A_20 : memref<1x79x128xi32, #tpu.memory_space<hbm>> -> memref<79x128xi32, #tpu.memory_space<hbm>>
      tpu.enqueue_dma source(%dma_start3A_21 : memref<79x128xi32, #tpu.memory_space<hbm>>) target(%arg7 : memref<79x128xi32, #tpu.memory_space<vmem>>) target_semaphore(%run_scoped3A : memref<!tpu.dma_semaphore, #tpu.memory_space<semaphore_mem>>)
      %dma_wait3A = arith.constant 0 : i32
      %dma_wait3A_22 = arith.constant 0 : i32
      %dma_wait3A_23 = tpu.memref_slice %arg3[%add3A, %dma_wait3A, %dma_wait3A_22] : memref<32x79x128xi32, #tpu.memory_space<hbm>> -> memref<1x79x128xi32, #tpu.memory_space<hbm>>
      %dma_wait3A_24 = tpu.memref_squeeze %dma_wait3A_23 : memref<1x79x128xi32, #tpu.memory_space<hbm>> -> memref<79x128xi32, #tpu.memory_space<hbm>>
      %dma_wait3A_25 = arith.constant 0 : i32
      %dma_wait3A_26 = arith.constant 0 : i32
      %dma_wait3A_27 = tpu.memref_slice %arg3[%add3A, %dma_wait3A_25, %dma_wait3A_26] : memref<32x79x128xi32, #tpu.memory_space<hbm>> -> memref<1x79x128xi32, #tpu.memory_space<hbm>>
      %dma_wait3A_28 = tpu.memref_squeeze %dma_wait3A_27 : memref<1x79x128xi32, #tpu.memory_space<hbm>> -> memref<79x128xi32, #tpu.memory_space<hbm>>
      tpu.wait_dma2 semaphore(%run_scoped3A : memref<!tpu.dma_semaphore, #tpu.memory_space<semaphore_mem>>) src(%dma_wait3A_28 : memref<79x128xi32, #tpu.memory_space<hbm>>) dst(%arg7 : memref<79x128xi32, #tpu.memory_space<vmem>>)
      tpu.yield
    }) : () -> ()
    "tpu.region"() ({
      %run_scoped3A = tpu.sem_alloc : memref<!tpu.dma_semaphore, #tpu.memory_space<semaphore_mem>>
      %dma_start3A = arith.constant 0 : i32
      %dma_start3A_15 = arith.constant 0 : i32
      %dma_start3A_16 = tpu.memref_slice %arg4[%add3A, %dma_start3A, %dma_start3A_15] : memref<32x79x128xi32, #tpu.memory_space<hbm>> -> memref<1x79x128xi32, #tpu.memory_space<hbm>>
      %dma_start3A_17 = tpu.memref_squeeze %dma_start3A_16 : memref<1x79x128xi32, #tpu.memory_space<hbm>> -> memref<79x128xi32, #tpu.memory_space<hbm>>
      %dma_start3A_18 = arith.constant 0 : i32
      %dma_start3A_19 = arith.constant 0 : i32
      %dma_start3A_20 = tpu.memref_slice %arg4[%add3A, %dma_start3A_18, %dma_start3A_19] : memref<32x79x128xi32, #tpu.memory_space<hbm>> -> memref<1x79x128xi32, #tpu.memory_space<hbm>>
      %dma_start3A_21 = tpu.memref_squeeze %dma_start3A_20 : memref<1x79x128xi32, #tpu.memory_space<hbm>> -> memref<79x128xi32, #tpu.memory_space<hbm>>
      tpu.enqueue_dma source(%dma_start3A_21 : memref<79x128xi32, #tpu.memory_space<hbm>>) target(%arg8 : memref<79x128xi32, #tpu.memory_space<vmem>>) target_semaphore(%run_scoped3A : memref<!tpu.dma_semaphore, #tpu.memory_space<semaphore_mem>>)
      %dma_wait3A = arith.constant 0 : i32
      %dma_wait3A_22 = arith.constant 0 : i32
      %dma_wait3A_23 = tpu.memref_slice %arg4[%add3A, %dma_wait3A, %dma_wait3A_22] : memref<32x79x128xi32, #tpu.memory_space<hbm>> -> memref<1x79x128xi32, #tpu.memory_space<hbm>>
      %dma_wait3A_24 = tpu.memref_squeeze %dma_wait3A_23 : memref<1x79x128xi32, #tpu.memory_space<hbm>> -> memref<79x128xi32, #tpu.memory_space<hbm>>
      %dma_wait3A_25 = arith.constant 0 : i32
      %dma_wait3A_26 = arith.constant 0 : i32
      %dma_wait3A_27 = tpu.memref_slice %arg4[%add3A, %dma_wait3A_25, %dma_wait3A_26] : memref<32x79x128xi32, #tpu.memory_space<hbm>> -> memref<1x79x128xi32, #tpu.memory_space<hbm>>
      %dma_wait3A_28 = tpu.memref_squeeze %dma_wait3A_27 : memref<1x79x128xi32, #tpu.memory_space<hbm>> -> memref<79x128xi32, #tpu.memory_space<hbm>>
      tpu.wait_dma2 semaphore(%run_scoped3A : memref<!tpu.dma_semaphore, #tpu.memory_space<semaphore_mem>>) src(%dma_wait3A_28 : memref<79x128xi32, #tpu.memory_space<hbm>>) dst(%arg8 : memref<79x128xi32, #tpu.memory_space<vmem>>)
      tpu.yield
    }) : () -> ()
    %mul3A_1 = arith.constant 640 : i32
    %mul3A_2 = arith.muli %arg1, %mul3A_1 : i32
    %mul3A_3 = arith.constant 640 : i32
    %mul3A_4 = arith.muli %arg1, %mul3A_3 : i32
    "tpu.region"() ({
      %run_scoped3A = tpu.sem_alloc : memref<!tpu.dma_semaphore, #tpu.memory_space<semaphore_mem>>
      %dma_start3A = arith.constant 0 : i32
      %dma_start3A_15 = tpu.memref_slice %arg10[%mul3A_4, %dma_start3A] : memref<10240x32xf32, #tpu.memory_space<vmem_shared>> -> memref<640x32xf32, #tpu.memory_space<vmem_shared>>
      %dma_start3A_16 = arith.constant 0 : i32
      %dma_start3A_17 = tpu.memref_slice %arg5[%mul3A_2, %dma_start3A_16] : memref<10240x32xf32, #tpu.memory_space<hbm>> -> memref<640x32xf32, #tpu.memory_space<hbm>>
      tpu.enqueue_dma source(%dma_start3A_17 : memref<640x32xf32, #tpu.memory_space<hbm>>) target(%dma_start3A_15 : memref<640x32xf32, #tpu.memory_space<vmem_shared>>) target_semaphore(%run_scoped3A : memref<!tpu.dma_semaphore, #tpu.memory_space<semaphore_mem>>)
      %dma_wait3A = arith.constant 0 : i32
      %dma_wait3A_18 = tpu.memref_slice %arg10[%mul3A_4, %dma_wait3A] : memref<10240x32xf32, #tpu.memory_space<vmem_shared>> -> memref<640x32xf32, #tpu.memory_space<vmem_shared>>
      %dma_wait3A_19 = arith.constant 0 : i32
      %dma_wait3A_20 = tpu.memref_slice %arg5[%mul3A_2, %dma_wait3A_19] : memref<10240x32xf32, #tpu.memory_space<hbm>> -> memref<640x32xf32, #tpu.memory_space<hbm>>
      tpu.wait_dma2 semaphore(%run_scoped3A : memref<!tpu.dma_semaphore, #tpu.memory_space<semaphore_mem>>) src(%dma_wait3A_20 : memref<640x32xf32, #tpu.memory_space<hbm>>) dst(%dma_wait3A_18 : memref<640x32xf32, #tpu.memory_space<vmem_shared>>)
      tpu.yield
    }) : () -> ()
    %barrier3A = arith.constant 0 : index
    tpu.barrier barrier_id(%barrier3A)
    %scan3A = arith.constant 0 : i32
    %scan3A_5 = arith.constant 0 : i32
    %scan3A_6 = arith.constant 79 : i32
    %scan3A_7 = arith.addi %scan3A_5, %scan3A_6 : i32
    %scan3A_8 = arith.constant 1 : i32
    scf.for %scan3A_15 = %scan3A_5 to %scan3A_7 step %scan3A_8  : i32 {
      %dma_start3A = arith.constant 0 : i32
      %dma_start3A_16 = tpu.memref_slice %arg7[%scan3A_15, %dma_start3A] : memref<79x128xi32, #tpu.memory_space<vmem>> -> memref<1x128xi32, #tpu.memory_space<vmem>>
      %dma_start3A_17 = tpu.memref_squeeze %dma_start3A_16 : memref<1x128xi32, #tpu.memory_space<vmem>> -> memref<128xi32, #tpu.memory_space<vmem>>
      %dma_start3A_18 = arith.constant 0 : i32
      %dma_start3A_19 = arith.constant 0 : i32
      %dma_start3A_20 = tpu.memref_slice %arg2[%dma_start3A_18, %dma_start3A_19] : memref<10240x32xf32, #tpu.memory_space<hbm>> -> memref<10240x32xf32, #tpu.memory_space<hbm>>
      tpu.enqueue_indirect_dma source(%dma_start3A_20 : memref<10240x32xf32, #tpu.memory_space<hbm>>) target(%arg9 : memref<128x32xf32, #tpu.memory_space<vmem>>) offsets(%dma_start3A_17 : memref<128xi32, #tpu.memory_space<vmem>>) semaphore(%arg11 : memref<!tpu.dma_semaphore, #tpu.memory_space<semaphore_mem>>)
      %dma_wait3A = arith.constant 0 : i32
      %dma_wait3A_21 = tpu.memref_slice %arg7[%scan3A_15, %dma_wait3A] : memref<79x128xi32, #tpu.memory_space<vmem>> -> memref<1x128xi32, #tpu.memory_space<vmem>>
      %dma_wait3A_22 = tpu.memref_squeeze %dma_wait3A_21 : memref<1x128xi32, #tpu.memory_space<vmem>> -> memref<128xi32, #tpu.memory_space<vmem>>
      %dma_wait3A_23 = arith.constant 0 : i32
      %dma_wait3A_24 = arith.constant 0 : i32
      %dma_wait3A_25 = tpu.memref_slice %arg2[%dma_wait3A_23, %dma_wait3A_24] : memref<10240x32xf32, #tpu.memory_space<hbm>> -> memref<10240x32xf32, #tpu.memory_space<hbm>>
      tpu.wait_indirect_dma semaphore(%arg11 : memref<!tpu.dma_semaphore, #tpu.memory_space<semaphore_mem>>) src(%dma_wait3A_25 : memref<10240x32xf32, #tpu.memory_space<hbm>>) dst(%arg9 : memref<128x32xf32, #tpu.memory_space<vmem>>)
      "tpu.region"() ({
        %run_scoped3A = tpu.sem_alloc : memref<!tpu.dma_semaphore, #tpu.memory_space<semaphore_mem>>
        %dma_start3A_26 = arith.constant 0 : i32
        %dma_start3A_27 = tpu.memref_slice %arg8[%scan3A_15, %dma_start3A_26] : memref<79x128xi32, #tpu.memory_space<vmem>> -> memref<1x128xi32, #tpu.memory_space<vmem>>
        %dma_start3A_28 = tpu.memref_squeeze %dma_start3A_27 : memref<1x128xi32, #tpu.memory_space<vmem>> -> memref<128xi32, #tpu.memory_space<vmem>>
        %dma_start3A_29 = arith.constant 0 : i32
        %dma_start3A_30 = arith.constant 0 : i32
        %dma_start3A_31 = tpu.memref_slice %arg10[%dma_start3A_29, %dma_start3A_30] : memref<10240x32xf32, #tpu.memory_space<vmem_shared>> -> memref<10240x32xf32, #tpu.memory_space<vmem_shared>>
        tpu.enqueue_indirect_dma source(%arg9 : memref<128x32xf32, #tpu.memory_space<vmem>>) target(%dma_start3A_31 : memref<10240x32xf32, #tpu.memory_space<vmem_shared>>) offsets(%dma_start3A_28 : memref<128xi32, #tpu.memory_space<vmem>>) semaphore(%run_scoped3A : memref<!tpu.dma_semaphore, #tpu.memory_space<semaphore_mem>>) {add = true}
        %dma_wait3A_32 = arith.constant 0 : i32
        %dma_wait3A_33 = tpu.memref_slice %arg8[%scan3A_15, %dma_wait3A_32] : memref<79x128xi32, #tpu.memory_space<vmem>> -> memref<1x128xi32, #tpu.memory_space<vmem>>
        %dma_wait3A_34 = tpu.memref_squeeze %dma_wait3A_33 : memref<1x128xi32, #tpu.memory_space<vmem>> -> memref<128xi32, #tpu.memory_space<vmem>>
        %dma_wait3A_35 = arith.constant 0 : i32
        %dma_wait3A_36 = arith.constant 0 : i32
        %dma_wait3A_37 = tpu.memref_slice %arg10[%dma_wait3A_35, %dma_wait3A_36] : memref<10240x32xf32, #tpu.memory_space<vmem_shared>> -> memref<10240x32xf32, #tpu.memory_space<vmem_shared>>
        tpu.wait_indirect_dma semaphore(%run_scoped3A : memref<!tpu.dma_semaphore, #tpu.memory_space<semaphore_mem>>) src(%arg9 : memref<128x32xf32, #tpu.memory_space<vmem>>) dst(%dma_wait3A_37 : memref<10240x32xf32, #tpu.memory_space<vmem_shared>>)
        tpu.yield
      }) : () -> ()
    }
    %scan3A_9 = arith.constant 79 : i32
    %barrier3A_10 = arith.constant 0 : index
    tpu.barrier barrier_id(%barrier3A_10)
    %mul3A_11 = arith.constant 640 : i32
    %mul3A_12 = arith.muli %arg1, %mul3A_11 : i32
    %mul3A_13 = arith.constant 640 : i32
    %mul3A_14 = arith.muli %arg1, %mul3A_13 : i32
    "tpu.region"() ({
      %run_scoped3A = tpu.sem_alloc : memref<!tpu.dma_semaphore, #tpu.memory_space<semaphore_mem>>
      %dma_start3A = arith.constant 0 : i32
      %dma_start3A_15 = tpu.memref_slice %arg6[%arg0, %mul3A_14, %dma_start3A] : memref<2x10240x32xf32, #tpu.memory_space<hbm>> -> memref<1x640x32xf32, #tpu.memory_space<hbm>>
      %dma_start3A_16 = tpu.memref_squeeze %dma_start3A_15 : memref<1x640x32xf32, #tpu.memory_space<hbm>> -> memref<640x32xf32, #tpu.memory_space<hbm>>
      %dma_start3A_17 = arith.constant 0 : i32
      %dma_start3A_18 = tpu.memref_slice %arg10[%mul3A_12, %dma_start3A_17] : memref<10240x32xf32, #tpu.memory_space<vmem_shared>> -> memref<640x32xf32, #tpu.memory_space<vmem_shared>>
      tpu.enqueue_dma source(%dma_start3A_18 : memref<640x32xf32, #tpu.memory_space<vmem_shared>>) target(%dma_start3A_16 : memref<640x32xf32, #tpu.memory_space<hbm>>) target_semaphore(%run_scoped3A : memref<!tpu.dma_semaphore, #tpu.memory_space<semaphore_mem>>)
      %dma_wait3A = arith.constant 0 : i32
      %dma_wait3A_19 = tpu.memref_slice %arg6[%arg0, %mul3A_14, %dma_wait3A] : memref<2x10240x32xf32, #tpu.memory_space<hbm>> -> memref<1x640x32xf32, #tpu.memory_space<hbm>>
      %dma_wait3A_20 = tpu.memref_squeeze %dma_wait3A_19 : memref<1x640x32xf32, #tpu.memory_space<hbm>> -> memref<640x32xf32, #tpu.memory_space<hbm>>
      %dma_wait3A_21 = arith.constant 0 : i32
      %dma_wait3A_22 = tpu.memref_slice %arg10[%mul3A_12, %dma_wait3A_21] : memref<10240x32xf32, #tpu.memory_space<vmem_shared>> -> memref<640x32xf32, #tpu.memory_space<vmem_shared>>
      tpu.wait_dma2 semaphore(%run_scoped3A : memref<!tpu.dma_semaphore, #tpu.memory_space<semaphore_mem>>) src(%dma_wait3A_22 : memref<640x32xf32, #tpu.memory_space<vmem_shared>>) dst(%dma_wait3A_20 : memref<640x32xf32, #tpu.memory_space<hbm>>)
      tpu.yield
    }) : () -> ()
    return
  }
}

#map = affine_map<(d0, d1) -> (0, 0)>
#map1 = affine_map<(d0, d1) -> (0, 0, 0)>
module attributes {stable_mosaic.version = 14 : i64} {
  func.func @body(%arg0: i32, %arg1: i32, %arg2: memref<10240x64xf32, #tpu.memory_space<hbm>>, %arg3: memref<32x79x128xi32, #tpu.memory_space<hbm>>, %arg4: memref<32x79x128xi32, #tpu.memory_space<hbm>>, %arg5: memref<10240x64xf32, #tpu.memory_space<hbm>>, %arg6: memref<2x10240x64xf32, #tpu.memory_space<hbm>>, %arg7: memref<79x128xi32, #tpu.memory_space<vmem>>, %arg8: memref<79x128xi32, #tpu.memory_space<vmem>>, %arg9: memref<128x64xf32, #tpu.memory_space<vmem>>, %arg10: memref<10240x64xf32, #tpu.memory_space<vmem_shared>>, %arg11: memref<!tpu.dma_semaphore, #tpu.memory_space<semaphore_mem>>) attributes {dimension_semantics = [#tpu.dimension_semantics<core_parallel>, #tpu.dimension_semantics<subcore_parallel>], iteration_bounds = array<i64: 2, 16>, scalar_prefetch = 0 : i64, scratch_operands = 5 : i64, tpu.core_type = #tpu.core_type<sc_vector_subcore>, window_params = [{transform_indices = #map}, {transform_indices = #map1}, {transform_indices = #map1}, {transform_indices = #map}, {transform_indices = #map1}]} {
    %mul3A = arith.constant 2 : i32
    %mul3A_0 = arith.muli %arg1, %mul3A : i32
    %add3A = arith.addi %mul3A_0, %arg0 : i32
    "tpu.region"() ({
      %run_scoped3A = tpu.sem_alloc : memref<!tpu.dma_semaphore, #tpu.memory_space<semaphore_mem>>
      %dma_start3A = arith.constant 0 : i32
      %dma_start3A_15 = arith.constant 0 : i32
      %dma_start3A_16 = tpu.memref_slice %arg3[%add3A, %dma_start3A, %dma_start3A_15] : memref<32x79x128xi32, #tpu.memory_space<hbm>> -> memref<1x79x128xi32, #tpu.memory_space<hbm>>
      %dma_start3A_17 = tpu.memref_squeeze %dma_start3A_16 : memref<1x79x128xi32, #tpu.memory_space<hbm>> -> memref<79x128xi32, #tpu.memory_space<hbm>>
      %dma_start3A_18 = arith.constant 0 : i32
      %dma_start3A_19 = arith.constant 0 : i32
      %dma_start3A_20 = tpu.memref_slice %arg3[%add3A, %dma_start3A_18, %dma_start3A_19] : memref<32x79x128xi32, #tpu.memory_space<hbm>> -> memref<1x79x128xi32, #tpu.memory_space<hbm>>
      %dma_start3A_21 = tpu.memref_squeeze %dma_start3A_20 : memref<1x79x128xi32, #tpu.memory_space<hbm>> -> memref<79x128xi32, #tpu.memory_space<hbm>>
      tpu.enqueue_dma source(%dma_start3A_21 : memref<79x128xi32, #tpu.memory_space<hbm>>) target(%arg7 : memref<79x128xi32, #tpu.memory_space<vmem>>) target_semaphore(%run_scoped3A : memref<!tpu.dma_semaphore, #tpu.memory_space<semaphore_mem>>)
      %dma_wait3A = arith.constant 0 : i32
      %dma_wait3A_22 = arith.constant 0 : i32
      %dma_wait3A_23 = tpu.memref_slice %arg3[%add3A, %dma_wait3A, %dma_wait3A_22] : memref<32x79x128xi32, #tpu.memory_space<hbm>> -> memref<1x79x128xi32, #tpu.memory_space<hbm>>
      %dma_wait3A_24 = tpu.memref_squeeze %dma_wait3A_23 : memref<1x79x128xi32, #tpu.memory_space<hbm>> -> memref<79x128xi32, #tpu.memory_space<hbm>>
      %dma_wait3A_25 = arith.constant 0 : i32
      %dma_wait3A_26 = arith.constant 0 : i32
      %dma_wait3A_27 = tpu.memref_slice %arg3[%add3A, %dma_wait3A_25, %dma_wait3A_26] : memref<32x79x128xi32, #tpu.memory_space<hbm>> -> memref<1x79x128xi32, #tpu.memory_space<hbm>>
      %dma_wait3A_28 = tpu.memref_squeeze %dma_wait3A_27 : memref<1x79x128xi32, #tpu.memory_space<hbm>> -> memref<79x128xi32, #tpu.memory_space<hbm>>
      tpu.wait_dma2 semaphore(%run_scoped3A : memref<!tpu.dma_semaphore, #tpu.memory_space<semaphore_mem>>) src(%dma_wait3A_28 : memref<79x128xi32, #tpu.memory_space<hbm>>) dst(%arg7 : memref<79x128xi32, #tpu.memory_space<vmem>>)
      tpu.yield
    }) : () -> ()
    "tpu.region"() ({
      %run_scoped3A = tpu.sem_alloc : memref<!tpu.dma_semaphore, #tpu.memory_space<semaphore_mem>>
      %dma_start3A = arith.constant 0 : i32
      %dma_start3A_15 = arith.constant 0 : i32
      %dma_start3A_16 = tpu.memref_slice %arg4[%add3A, %dma_start3A, %dma_start3A_15] : memref<32x79x128xi32, #tpu.memory_space<hbm>> -> memref<1x79x128xi32, #tpu.memory_space<hbm>>
      %dma_start3A_17 = tpu.memref_squeeze %dma_start3A_16 : memref<1x79x128xi32, #tpu.memory_space<hbm>> -> memref<79x128xi32, #tpu.memory_space<hbm>>
      %dma_start3A_18 = arith.constant 0 : i32
      %dma_start3A_19 = arith.constant 0 : i32
      %dma_start3A_20 = tpu.memref_slice %arg4[%add3A, %dma_start3A_18, %dma_start3A_19] : memref<32x79x128xi32, #tpu.memory_space<hbm>> -> memref<1x79x128xi32, #tpu.memory_space<hbm>>
      %dma_start3A_21 = tpu.memref_squeeze %dma_start3A_20 : memref<1x79x128xi32, #tpu.memory_space<hbm>> -> memref<79x128xi32, #tpu.memory_space<hbm>>
      tpu.enqueue_dma source(%dma_start3A_21 : memref<79x128xi32, #tpu.memory_space<hbm>>) target(%arg8 : memref<79x128xi32, #tpu.memory_space<vmem>>) target_semaphore(%run_scoped3A : memref<!tpu.dma_semaphore, #tpu.memory_space<semaphore_mem>>)
      %dma_wait3A = arith.constant 0 : i32
      %dma_wait3A_22 = arith.constant 0 : i32
      %dma_wait3A_23 = tpu.memref_slice %arg4[%add3A, %dma_wait3A, %dma_wait3A_22] : memref<32x79x128xi32, #tpu.memory_space<hbm>> -> memref<1x79x128xi32, #tpu.memory_space<hbm>>
      %dma_wait3A_24 = tpu.memref_squeeze %dma_wait3A_23 : memref<1x79x128xi32, #tpu.memory_space<hbm>> -> memref<79x128xi32, #tpu.memory_space<hbm>>
      %dma_wait3A_25 = arith.constant 0 : i32
      %dma_wait3A_26 = arith.constant 0 : i32
      %dma_wait3A_27 = tpu.memref_slice %arg4[%add3A, %dma_wait3A_25, %dma_wait3A_26] : memref<32x79x128xi32, #tpu.memory_space<hbm>> -> memref<1x79x128xi32, #tpu.memory_space<hbm>>
      %dma_wait3A_28 = tpu.memref_squeeze %dma_wait3A_27 : memref<1x79x128xi32, #tpu.memory_space<hbm>> -> memref<79x128xi32, #tpu.memory_space<hbm>>
      tpu.wait_dma2 semaphore(%run_scoped3A : memref<!tpu.dma_semaphore, #tpu.memory_space<semaphore_mem>>) src(%dma_wait3A_28 : memref<79x128xi32, #tpu.memory_space<hbm>>) dst(%arg8 : memref<79x128xi32, #tpu.memory_space<vmem>>)
      tpu.yield
    }) : () -> ()
    %mul3A_1 = arith.constant 640 : i32
    %mul3A_2 = arith.muli %arg1, %mul3A_1 : i32
    %mul3A_3 = arith.constant 640 : i32
    %mul3A_4 = arith.muli %arg1, %mul3A_3 : i32
    "tpu.region"() ({
      %run_scoped3A = tpu.sem_alloc : memref<!tpu.dma_semaphore, #tpu.memory_space<semaphore_mem>>
      %dma_start3A = arith.constant 0 : i32
      %dma_start3A_15 = tpu.memref_slice %arg10[%mul3A_4, %dma_start3A] : memref<10240x64xf32, #tpu.memory_space<vmem_shared>> -> memref<640x64xf32, #tpu.memory_space<vmem_shared>>
      %dma_start3A_16 = arith.constant 0 : i32
      %dma_start3A_17 = tpu.memref_slice %arg5[%mul3A_2, %dma_start3A_16] : memref<10240x64xf32, #tpu.memory_space<hbm>> -> memref<640x64xf32, #tpu.memory_space<hbm>>
      tpu.enqueue_dma source(%dma_start3A_17 : memref<640x64xf32, #tpu.memory_space<hbm>>) target(%dma_start3A_15 : memref<640x64xf32, #tpu.memory_space<vmem_shared>>) target_semaphore(%run_scoped3A : memref<!tpu.dma_semaphore, #tpu.memory_space<semaphore_mem>>)
      %dma_wait3A = arith.constant 0 : i32
      %dma_wait3A_18 = tpu.memref_slice %arg10[%mul3A_4, %dma_wait3A] : memref<10240x64xf32, #tpu.memory_space<vmem_shared>> -> memref<640x64xf32, #tpu.memory_space<vmem_shared>>
      %dma_wait3A_19 = arith.constant 0 : i32
      %dma_wait3A_20 = tpu.memref_slice %arg5[%mul3A_2, %dma_wait3A_19] : memref<10240x64xf32, #tpu.memory_space<hbm>> -> memref<640x64xf32, #tpu.memory_space<hbm>>
      tpu.wait_dma2 semaphore(%run_scoped3A : memref<!tpu.dma_semaphore, #tpu.memory_space<semaphore_mem>>) src(%dma_wait3A_20 : memref<640x64xf32, #tpu.memory_space<hbm>>) dst(%dma_wait3A_18 : memref<640x64xf32, #tpu.memory_space<vmem_shared>>)
      tpu.yield
    }) : () -> ()
    %barrier3A = arith.constant 0 : index
    tpu.barrier barrier_id(%barrier3A)
    %scan3A = arith.constant 0 : i32
    %scan3A_5 = arith.constant 0 : i32
    %scan3A_6 = arith.constant 79 : i32
    %scan3A_7 = arith.addi %scan3A_5, %scan3A_6 : i32
    %scan3A_8 = arith.constant 1 : i32
    scf.for %scan3A_15 = %scan3A_5 to %scan3A_7 step %scan3A_8  : i32 {
      %dma_start3A = arith.constant 0 : i32
      %dma_start3A_16 = tpu.memref_slice %arg7[%scan3A_15, %dma_start3A] : memref<79x128xi32, #tpu.memory_space<vmem>> -> memref<1x128xi32, #tpu.memory_space<vmem>>
      %dma_start3A_17 = tpu.memref_squeeze %dma_start3A_16 : memref<1x128xi32, #tpu.memory_space<vmem>> -> memref<128xi32, #tpu.memory_space<vmem>>
      %dma_start3A_18 = arith.constant 0 : i32
      %dma_start3A_19 = arith.constant 0 : i32
      %dma_start3A_20 = tpu.memref_slice %arg2[%dma_start3A_18, %dma_start3A_19] : memref<10240x64xf32, #tpu.memory_space<hbm>> -> memref<10240x64xf32, #tpu.memory_space<hbm>>
      tpu.enqueue_indirect_dma source(%dma_start3A_20 : memref<10240x64xf32, #tpu.memory_space<hbm>>) target(%arg9 : memref<128x64xf32, #tpu.memory_space<vmem>>) offsets(%dma_start3A_17 : memref<128xi32, #tpu.memory_space<vmem>>) semaphore(%arg11 : memref<!tpu.dma_semaphore, #tpu.memory_space<semaphore_mem>>)
      %dma_wait3A = arith.constant 0 : i32
      %dma_wait3A_21 = tpu.memref_slice %arg7[%scan3A_15, %dma_wait3A] : memref<79x128xi32, #tpu.memory_space<vmem>> -> memref<1x128xi32, #tpu.memory_space<vmem>>
      %dma_wait3A_22 = tpu.memref_squeeze %dma_wait3A_21 : memref<1x128xi32, #tpu.memory_space<vmem>> -> memref<128xi32, #tpu.memory_space<vmem>>
      %dma_wait3A_23 = arith.constant 0 : i32
      %dma_wait3A_24 = arith.constant 0 : i32
      %dma_wait3A_25 = tpu.memref_slice %arg2[%dma_wait3A_23, %dma_wait3A_24] : memref<10240x64xf32, #tpu.memory_space<hbm>> -> memref<10240x64xf32, #tpu.memory_space<hbm>>
      tpu.wait_indirect_dma semaphore(%arg11 : memref<!tpu.dma_semaphore, #tpu.memory_space<semaphore_mem>>) src(%dma_wait3A_25 : memref<10240x64xf32, #tpu.memory_space<hbm>>) dst(%arg9 : memref<128x64xf32, #tpu.memory_space<vmem>>)
      "tpu.region"() ({
        %run_scoped3A = tpu.sem_alloc : memref<!tpu.dma_semaphore, #tpu.memory_space<semaphore_mem>>
        %dma_start3A_26 = arith.constant 0 : i32
        %dma_start3A_27 = tpu.memref_slice %arg8[%scan3A_15, %dma_start3A_26] : memref<79x128xi32, #tpu.memory_space<vmem>> -> memref<1x128xi32, #tpu.memory_space<vmem>>
        %dma_start3A_28 = tpu.memref_squeeze %dma_start3A_27 : memref<1x128xi32, #tpu.memory_space<vmem>> -> memref<128xi32, #tpu.memory_space<vmem>>
        %dma_start3A_29 = arith.constant 0 : i32
        %dma_start3A_30 = arith.constant 0 : i32
        %dma_start3A_31 = tpu.memref_slice %arg10[%dma_start3A_29, %dma_start3A_30] : memref<10240x64xf32, #tpu.memory_space<vmem_shared>> -> memref<10240x64xf32, #tpu.memory_space<vmem_shared>>
        tpu.enqueue_indirect_dma source(%arg9 : memref<128x64xf32, #tpu.memory_space<vmem>>) target(%dma_start3A_31 : memref<10240x64xf32, #tpu.memory_space<vmem_shared>>) offsets(%dma_start3A_28 : memref<128xi32, #tpu.memory_space<vmem>>) semaphore(%run_scoped3A : memref<!tpu.dma_semaphore, #tpu.memory_space<semaphore_mem>>) {add = true}
        %dma_wait3A_32 = arith.constant 0 : i32
        %dma_wait3A_33 = tpu.memref_slice %arg8[%scan3A_15, %dma_wait3A_32] : memref<79x128xi32, #tpu.memory_space<vmem>> -> memref<1x128xi32, #tpu.memory_space<vmem>>
        %dma_wait3A_34 = tpu.memref_squeeze %dma_wait3A_33 : memref<1x128xi32, #tpu.memory_space<vmem>> -> memref<128xi32, #tpu.memory_space<vmem>>
        %dma_wait3A_35 = arith.constant 0 : i32
        %dma_wait3A_36 = arith.constant 0 : i32
        %dma_wait3A_37 = tpu.memref_slice %arg10[%dma_wait3A_35, %dma_wait3A_36] : memref<10240x64xf32, #tpu.memory_space<vmem_shared>> -> memref<10240x64xf32, #tpu.memory_space<vmem_shared>>
        tpu.wait_indirect_dma semaphore(%run_scoped3A : memref<!tpu.dma_semaphore, #tpu.memory_space<semaphore_mem>>) src(%arg9 : memref<128x64xf32, #tpu.memory_space<vmem>>) dst(%dma_wait3A_37 : memref<10240x64xf32, #tpu.memory_space<vmem_shared>>)
        tpu.yield
      }) : () -> ()
    }
    %scan3A_9 = arith.constant 79 : i32
    %barrier3A_10 = arith.constant 0 : index
    tpu.barrier barrier_id(%barrier3A_10)
    %mul3A_11 = arith.constant 640 : i32
    %mul3A_12 = arith.muli %arg1, %mul3A_11 : i32
    %mul3A_13 = arith.constant 640 : i32
    %mul3A_14 = arith.muli %arg1, %mul3A_13 : i32
    "tpu.region"() ({
      %run_scoped3A = tpu.sem_alloc : memref<!tpu.dma_semaphore, #tpu.memory_space<semaphore_mem>>
      %dma_start3A = arith.constant 0 : i32
      %dma_start3A_15 = tpu.memref_slice %arg6[%arg0, %mul3A_14, %dma_start3A] : memref<2x10240x64xf32, #tpu.memory_space<hbm>> -> memref<1x640x64xf32, #tpu.memory_space<hbm>>
      %dma_start3A_16 = tpu.memref_squeeze %dma_start3A_15 : memref<1x640x64xf32, #tpu.memory_space<hbm>> -> memref<640x64xf32, #tpu.memory_space<hbm>>
      %dma_start3A_17 = arith.constant 0 : i32
      %dma_start3A_18 = tpu.memref_slice %arg10[%mul3A_12, %dma_start3A_17] : memref<10240x64xf32, #tpu.memory_space<vmem_shared>> -> memref<640x64xf32, #tpu.memory_space<vmem_shared>>
      tpu.enqueue_dma source(%dma_start3A_18 : memref<640x64xf32, #tpu.memory_space<vmem_shared>>) target(%dma_start3A_16 : memref<640x64xf32, #tpu.memory_space<hbm>>) target_semaphore(%run_scoped3A : memref<!tpu.dma_semaphore, #tpu.memory_space<semaphore_mem>>)
      %dma_wait3A = arith.constant 0 : i32
      %dma_wait3A_19 = tpu.memref_slice %arg6[%arg0, %mul3A_14, %dma_wait3A] : memref<2x10240x64xf32, #tpu.memory_space<hbm>> -> memref<1x640x64xf32, #tpu.memory_space<hbm>>
      %dma_wait3A_20 = tpu.memref_squeeze %dma_wait3A_19 : memref<1x640x64xf32, #tpu.memory_space<hbm>> -> memref<640x64xf32, #tpu.memory_space<hbm>>
      %dma_wait3A_21 = arith.constant 0 : i32
      %dma_wait3A_22 = tpu.memref_slice %arg10[%mul3A_12, %dma_wait3A_21] : memref<10240x64xf32, #tpu.memory_space<vmem_shared>> -> memref<640x64xf32, #tpu.memory_space<vmem_shared>>
      tpu.wait_dma2 semaphore(%run_scoped3A : memref<!tpu.dma_semaphore, #tpu.memory_space<semaphore_mem>>) src(%dma_wait3A_22 : memref<640x64xf32, #tpu.memory_space<vmem_shared>>) dst(%dma_wait3A_20 : memref<640x64xf32, #tpu.memory_space<hbm>>)
      tpu.yield
    }) : () -> ()
    return
  }
}

#map = affine_map<(d0, d1) -> (0, 0)>
#map1 = affine_map<(d0, d1) -> (0, 0, 0)>
module attributes {stable_mosaic.version = 14 : i64} {
  func.func @body(%arg0: i32, %arg1: i32, %arg2: memref<128x16xf32, #tpu.memory_space<hbm>>, %arg3: memref<32x79x128xi32, #tpu.memory_space<hbm>>, %arg4: memref<10240x16xf32, #tpu.memory_space<hbm>>, %arg5: memref<2x10240x16xf32, #tpu.memory_space<hbm>>, %arg6: memref<79x128xi32, #tpu.memory_space<vmem>>, %arg7: memref<128x16xf32, #tpu.memory_space<vmem>>, %arg8: memref<10240x16xf32, #tpu.memory_space<vmem_shared>>, %arg9: memref<!tpu.dma_semaphore, #tpu.memory_space<semaphore_mem>>) attributes {dimension_semantics = [#tpu.dimension_semantics<core_parallel>, #tpu.dimension_semantics<subcore_parallel>], iteration_bounds = array<i64: 2, 16>, scalar_prefetch = 0 : i64, scratch_operands = 4 : i64, tpu.core_type = #tpu.core_type<sc_vector_subcore>, window_params = [{transform_indices = #map}, {transform_indices = #map1}, {transform_indices = #map}, {transform_indices = #map1}]} {
    %mul3A = arith.constant 2 : i32
    %mul3A_0 = arith.muli %arg1, %mul3A : i32
    %add3A = arith.addi %mul3A_0, %arg0 : i32
    "tpu.region"() ({
      %run_scoped3A = tpu.sem_alloc : memref<!tpu.dma_semaphore, #tpu.memory_space<semaphore_mem>>
      %dma_start3A = arith.constant 0 : i32
      %dma_start3A_15 = arith.constant 0 : i32
      %dma_start3A_16 = tpu.memref_slice %arg3[%add3A, %dma_start3A, %dma_start3A_15] : memref<32x79x128xi32, #tpu.memory_space<hbm>> -> memref<1x79x128xi32, #tpu.memory_space<hbm>>
      %dma_start3A_17 = tpu.memref_squeeze %dma_start3A_16 : memref<1x79x128xi32, #tpu.memory_space<hbm>> -> memref<79x128xi32, #tpu.memory_space<hbm>>
      %dma_start3A_18 = arith.constant 0 : i32
      %dma_start3A_19 = arith.constant 0 : i32
      %dma_start3A_20 = tpu.memref_slice %arg3[%add3A, %dma_start3A_18, %dma_start3A_19] : memref<32x79x128xi32, #tpu.memory_space<hbm>> -> memref<1x79x128xi32, #tpu.memory_space<hbm>>
      %dma_start3A_21 = tpu.memref_squeeze %dma_start3A_20 : memref<1x79x128xi32, #tpu.memory_space<hbm>> -> memref<79x128xi32, #tpu.memory_space<hbm>>
      tpu.enqueue_dma source(%dma_start3A_21 : memref<79x128xi32, #tpu.memory_space<hbm>>) target(%arg6 : memref<79x128xi32, #tpu.memory_space<vmem>>) target_semaphore(%run_scoped3A : memref<!tpu.dma_semaphore, #tpu.memory_space<semaphore_mem>>)
      %dma_wait3A = arith.constant 0 : i32
      %dma_wait3A_22 = arith.constant 0 : i32
      %dma_wait3A_23 = tpu.memref_slice %arg3[%add3A, %dma_wait3A, %dma_wait3A_22] : memref<32x79x128xi32, #tpu.memory_space<hbm>> -> memref<1x79x128xi32, #tpu.memory_space<hbm>>
      %dma_wait3A_24 = tpu.memref_squeeze %dma_wait3A_23 : memref<1x79x128xi32, #tpu.memory_space<hbm>> -> memref<79x128xi32, #tpu.memory_space<hbm>>
      %dma_wait3A_25 = arith.constant 0 : i32
      %dma_wait3A_26 = arith.constant 0 : i32
      %dma_wait3A_27 = tpu.memref_slice %arg3[%add3A, %dma_wait3A_25, %dma_wait3A_26] : memref<32x79x128xi32, #tpu.memory_space<hbm>> -> memref<1x79x128xi32, #tpu.memory_space<hbm>>
      %dma_wait3A_28 = tpu.memref_squeeze %dma_wait3A_27 : memref<1x79x128xi32, #tpu.memory_space<hbm>> -> memref<79x128xi32, #tpu.memory_space<hbm>>
      tpu.wait_dma2 semaphore(%run_scoped3A : memref<!tpu.dma_semaphore, #tpu.memory_space<semaphore_mem>>) src(%dma_wait3A_28 : memref<79x128xi32, #tpu.memory_space<hbm>>) dst(%arg6 : memref<79x128xi32, #tpu.memory_space<vmem>>)
      tpu.yield
    }) : () -> ()
    "tpu.region"() ({
      %run_scoped3A = tpu.sem_alloc : memref<!tpu.dma_semaphore, #tpu.memory_space<semaphore_mem>>
      tpu.enqueue_dma source(%arg2 : memref<128x16xf32, #tpu.memory_space<hbm>>) target(%arg7 : memref<128x16xf32, #tpu.memory_space<vmem>>) target_semaphore(%run_scoped3A : memref<!tpu.dma_semaphore, #tpu.memory_space<semaphore_mem>>)
      tpu.wait_dma2 semaphore(%run_scoped3A : memref<!tpu.dma_semaphore, #tpu.memory_space<semaphore_mem>>) src(%arg2 : memref<128x16xf32, #tpu.memory_space<hbm>>) dst(%arg7 : memref<128x16xf32, #tpu.memory_space<vmem>>)
      tpu.yield
    }) : () -> ()
    %mul3A_1 = arith.constant 640 : i32
    %mul3A_2 = arith.muli %arg1, %mul3A_1 : i32
    %mul3A_3 = arith.constant 640 : i32
    %mul3A_4 = arith.muli %arg1, %mul3A_3 : i32
    "tpu.region"() ({
      %run_scoped3A = tpu.sem_alloc : memref<!tpu.dma_semaphore, #tpu.memory_space<semaphore_mem>>
      %dma_start3A = arith.constant 0 : i32
      %dma_start3A_15 = tpu.memref_slice %arg8[%mul3A_4, %dma_start3A] : memref<10240x16xf32, #tpu.memory_space<vmem_shared>> -> memref<640x16xf32, #tpu.memory_space<vmem_shared>>
      %dma_start3A_16 = arith.constant 0 : i32
      %dma_start3A_17 = tpu.memref_slice %arg4[%mul3A_2, %dma_start3A_16] : memref<10240x16xf32, #tpu.memory_space<hbm>> -> memref<640x16xf32, #tpu.memory_space<hbm>>
      tpu.enqueue_dma source(%dma_start3A_17 : memref<640x16xf32, #tpu.memory_space<hbm>>) target(%dma_start3A_15 : memref<640x16xf32, #tpu.memory_space<vmem_shared>>) target_semaphore(%run_scoped3A : memref<!tpu.dma_semaphore, #tpu.memory_space<semaphore_mem>>)
      %dma_wait3A = arith.constant 0 : i32
      %dma_wait3A_18 = tpu.memref_slice %arg8[%mul3A_4, %dma_wait3A] : memref<10240x16xf32, #tpu.memory_space<vmem_shared>> -> memref<640x16xf32, #tpu.memory_space<vmem_shared>>
      %dma_wait3A_19 = arith.constant 0 : i32
      %dma_wait3A_20 = tpu.memref_slice %arg4[%mul3A_2, %dma_wait3A_19] : memref<10240x16xf32, #tpu.memory_space<hbm>> -> memref<640x16xf32, #tpu.memory_space<hbm>>
      tpu.wait_dma2 semaphore(%run_scoped3A : memref<!tpu.dma_semaphore, #tpu.memory_space<semaphore_mem>>) src(%dma_wait3A_20 : memref<640x16xf32, #tpu.memory_space<hbm>>) dst(%dma_wait3A_18 : memref<640x16xf32, #tpu.memory_space<vmem_shared>>)
      tpu.yield
    }) : () -> ()
    %barrier3A = arith.constant 0 : index
    tpu.barrier barrier_id(%barrier3A)
    %scan3A = arith.constant 0 : i32
    %scan3A_5 = arith.constant 0 : i32
    %scan3A_6 = arith.constant 79 : i32
    %scan3A_7 = arith.addi %scan3A_5, %scan3A_6 : i32
    %scan3A_8 = arith.constant 1 : i32
    scf.for %scan3A_15 = %scan3A_5 to %scan3A_7 step %scan3A_8  : i32 {
      "tpu.region"() ({
        %run_scoped3A = tpu.sem_alloc : memref<!tpu.dma_semaphore, #tpu.memory_space<semaphore_mem>>
        %dma_start3A = arith.constant 0 : i32
        %dma_start3A_16 = tpu.memref_slice %arg6[%scan3A_15, %dma_start3A] : memref<79x128xi32, #tpu.memory_space<vmem>> -> memref<1x128xi32, #tpu.memory_space<vmem>>
        %dma_start3A_17 = tpu.memref_squeeze %dma_start3A_16 : memref<1x128xi32, #tpu.memory_space<vmem>> -> memref<128xi32, #tpu.memory_space<vmem>>
        %dma_start3A_18 = arith.constant 0 : i32
        %dma_start3A_19 = arith.constant 0 : i32
        %dma_start3A_20 = tpu.memref_slice %arg8[%dma_start3A_18, %dma_start3A_19] : memref<10240x16xf32, #tpu.memory_space<vmem_shared>> -> memref<10240x16xf32, #tpu.memory_space<vmem_shared>>
        tpu.enqueue_indirect_dma source(%arg7 : memref<128x16xf32, #tpu.memory_space<vmem>>) target(%dma_start3A_20 : memref<10240x16xf32, #tpu.memory_space<vmem_shared>>) offsets(%dma_start3A_17 : memref<128xi32, #tpu.memory_space<vmem>>) semaphore(%run_scoped3A : memref<!tpu.dma_semaphore, #tpu.memory_space<semaphore_mem>>) {add = true}
        %dma_wait3A = arith.constant 0 : i32
        %dma_wait3A_21 = tpu.memref_slice %arg6[%scan3A_15, %dma_wait3A] : memref<79x128xi32, #tpu.memory_space<vmem>> -> memref<1x128xi32, #tpu.memory_space<vmem>>
        %dma_wait3A_22 = tpu.memref_squeeze %dma_wait3A_21 : memref<1x128xi32, #tpu.memory_space<vmem>> -> memref<128xi32, #tpu.memory_space<vmem>>
        %dma_wait3A_23 = arith.constant 0 : i32
        %dma_wait3A_24 = arith.constant 0 : i32
        %dma_wait3A_25 = tpu.memref_slice %arg8[%dma_wait3A_23, %dma_wait3A_24] : memref<10240x16xf32, #tpu.memory_space<vmem_shared>> -> memref<10240x16xf32, #tpu.memory_space<vmem_shared>>
        tpu.wait_indirect_dma semaphore(%run_scoped3A : memref<!tpu.dma_semaphore, #tpu.memory_space<semaphore_mem>>) src(%arg7 : memref<128x16xf32, #tpu.memory_space<vmem>>) dst(%dma_wait3A_25 : memref<10240x16xf32, #tpu.memory_space<vmem_shared>>)
        tpu.yield
      }) : () -> ()
    }
    %scan3A_9 = arith.constant 79 : i32
    %barrier3A_10 = arith.constant 0 : index
    tpu.barrier barrier_id(%barrier3A_10)
    %mul3A_11 = arith.constant 640 : i32
    %mul3A_12 = arith.muli %arg1, %mul3A_11 : i32
    %mul3A_13 = arith.constant 640 : i32
    %mul3A_14 = arith.muli %arg1, %mul3A_13 : i32
    "tpu.region"() ({
      %run_scoped3A = tpu.sem_alloc : memref<!tpu.dma_semaphore, #tpu.memory_space<semaphore_mem>>
      %dma_start3A = arith.constant 0 : i32
      %dma_start3A_15 = tpu.memref_slice %arg5[%arg0, %mul3A_14, %dma_start3A] : memref<2x10240x16xf32, #tpu.memory_space<hbm>> -> memref<1x640x16xf32, #tpu.memory_space<hbm>>
      %dma_start3A_16 = tpu.memref_squeeze %dma_start3A_15 : memref<1x640x16xf32, #tpu.memory_space<hbm>> -> memref<640x16xf32, #tpu.memory_space<hbm>>
      %dma_start3A_17 = arith.constant 0 : i32
      %dma_start3A_18 = tpu.memref_slice %arg8[%mul3A_12, %dma_start3A_17] : memref<10240x16xf32, #tpu.memory_space<vmem_shared>> -> memref<640x16xf32, #tpu.memory_space<vmem_shared>>
      tpu.enqueue_dma source(%dma_start3A_18 : memref<640x16xf32, #tpu.memory_space<vmem_shared>>) target(%dma_start3A_16 : memref<640x16xf32, #tpu.memory_space<hbm>>) target_semaphore(%run_scoped3A : memref<!tpu.dma_semaphore, #tpu.memory_space<semaphore_mem>>)
      %dma_wait3A = arith.constant 0 : i32
      %dma_wait3A_19 = tpu.memref_slice %arg5[%arg0, %mul3A_14, %dma_wait3A] : memref<2x10240x16xf32, #tpu.memory_space<hbm>> -> memref<1x640x16xf32, #tpu.memory_space<hbm>>
      %dma_wait3A_20 = tpu.memref_squeeze %dma_wait3A_19 : memref<1x640x16xf32, #tpu.memory_space<hbm>> -> memref<640x16xf32, #tpu.memory_space<hbm>>
      %dma_wait3A_21 = arith.constant 0 : i32
      %dma_wait3A_22 = tpu.memref_slice %arg8[%mul3A_12, %dma_wait3A_21] : memref<10240x16xf32, #tpu.memory_space<vmem_shared>> -> memref<640x16xf32, #tpu.memory_space<vmem_shared>>
      tpu.wait_dma2 semaphore(%run_scoped3A : memref<!tpu.dma_semaphore, #tpu.memory_space<semaphore_mem>>) src(%dma_wait3A_22 : memref<640x16xf32, #tpu.memory_space<vmem_shared>>) dst(%dma_wait3A_20 : memref<640x16xf32, #tpu.memory_space<hbm>>)
      tpu.yield
    }) : () -> ()
    return
  }
}

#map = affine_map<(d0, d1) -> (0, 0)>
#map1 = affine_map<(d0, d1) -> (0, 0, 0)>
module attributes {stable_mosaic.version = 14 : i64} {
  func.func @body(%arg0: i32, %arg1: i32, %arg2: memref<10240x128xf32, #tpu.memory_space<hbm>>, %arg3: memref<32x79x128xi32, #tpu.memory_space<hbm>>, %arg4: memref<32x79x128xi32, #tpu.memory_space<hbm>>, %arg5: memref<10240x128xf32, #tpu.memory_space<hbm>>, %arg6: memref<2x10240x128xf32, #tpu.memory_space<hbm>>, %arg7: memref<79x128xi32, #tpu.memory_space<vmem>>, %arg8: memref<79x128xi32, #tpu.memory_space<vmem>>, %arg9: memref<128x128xf32, #tpu.memory_space<vmem>>, %arg10: memref<10240x128xf32, #tpu.memory_space<vmem_shared>>, %arg11: memref<!tpu.dma_semaphore, #tpu.memory_space<semaphore_mem>>) attributes {dimension_semantics = [#tpu.dimension_semantics<core_parallel>, #tpu.dimension_semantics<subcore_parallel>], iteration_bounds = array<i64: 2, 16>, scalar_prefetch = 0 : i64, scratch_operands = 5 : i64, tpu.core_type = #tpu.core_type<sc_vector_subcore>, window_params = [{transform_indices = #map}, {transform_indices = #map1}, {transform_indices = #map1}, {transform_indices = #map}, {transform_indices = #map1}]} {
    %mul3A = arith.constant 2 : i32
    %mul3A_0 = arith.muli %arg1, %mul3A : i32
    %add3A = arith.addi %mul3A_0, %arg0 : i32
    "tpu.region"() ({
      %run_scoped3A = tpu.sem_alloc : memref<!tpu.dma_semaphore, #tpu.memory_space<semaphore_mem>>
      %dma_start3A = arith.constant 0 : i32
      %dma_start3A_15 = arith.constant 0 : i32
      %dma_start3A_16 = tpu.memref_slice %arg3[%add3A, %dma_start3A, %dma_start3A_15] : memref<32x79x128xi32, #tpu.memory_space<hbm>> -> memref<1x79x128xi32, #tpu.memory_space<hbm>>
      %dma_start3A_17 = tpu.memref_squeeze %dma_start3A_16 : memref<1x79x128xi32, #tpu.memory_space<hbm>> -> memref<79x128xi32, #tpu.memory_space<hbm>>
      %dma_start3A_18 = arith.constant 0 : i32
      %dma_start3A_19 = arith.constant 0 : i32
      %dma_start3A_20 = tpu.memref_slice %arg3[%add3A, %dma_start3A_18, %dma_start3A_19] : memref<32x79x128xi32, #tpu.memory_space<hbm>> -> memref<1x79x128xi32, #tpu.memory_space<hbm>>
      %dma_start3A_21 = tpu.memref_squeeze %dma_start3A_20 : memref<1x79x128xi32, #tpu.memory_space<hbm>> -> memref<79x128xi32, #tpu.memory_space<hbm>>
      tpu.enqueue_dma source(%dma_start3A_21 : memref<79x128xi32, #tpu.memory_space<hbm>>) target(%arg7 : memref<79x128xi32, #tpu.memory_space<vmem>>) target_semaphore(%run_scoped3A : memref<!tpu.dma_semaphore, #tpu.memory_space<semaphore_mem>>)
      %dma_wait3A = arith.constant 0 : i32
      %dma_wait3A_22 = arith.constant 0 : i32
      %dma_wait3A_23 = tpu.memref_slice %arg3[%add3A, %dma_wait3A, %dma_wait3A_22] : memref<32x79x128xi32, #tpu.memory_space<hbm>> -> memref<1x79x128xi32, #tpu.memory_space<hbm>>
      %dma_wait3A_24 = tpu.memref_squeeze %dma_wait3A_23 : memref<1x79x128xi32, #tpu.memory_space<hbm>> -> memref<79x128xi32, #tpu.memory_space<hbm>>
      %dma_wait3A_25 = arith.constant 0 : i32
      %dma_wait3A_26 = arith.constant 0 : i32
      %dma_wait3A_27 = tpu.memref_slice %arg3[%add3A, %dma_wait3A_25, %dma_wait3A_26] : memref<32x79x128xi32, #tpu.memory_space<hbm>> -> memref<1x79x128xi32, #tpu.memory_space<hbm>>
      %dma_wait3A_28 = tpu.memref_squeeze %dma_wait3A_27 : memref<1x79x128xi32, #tpu.memory_space<hbm>> -> memref<79x128xi32, #tpu.memory_space<hbm>>
      tpu.wait_dma2 semaphore(%run_scoped3A : memref<!tpu.dma_semaphore, #tpu.memory_space<semaphore_mem>>) src(%dma_wait3A_28 : memref<79x128xi32, #tpu.memory_space<hbm>>) dst(%arg7 : memref<79x128xi32, #tpu.memory_space<vmem>>)
      tpu.yield
    }) : () -> ()
    "tpu.region"() ({
      %run_scoped3A = tpu.sem_alloc : memref<!tpu.dma_semaphore, #tpu.memory_space<semaphore_mem>>
      %dma_start3A = arith.constant 0 : i32
      %dma_start3A_15 = arith.constant 0 : i32
      %dma_start3A_16 = tpu.memref_slice %arg4[%add3A, %dma_start3A, %dma_start3A_15] : memref<32x79x128xi32, #tpu.memory_space<hbm>> -> memref<1x79x128xi32, #tpu.memory_space<hbm>>
      %dma_start3A_17 = tpu.memref_squeeze %dma_start3A_16 : memref<1x79x128xi32, #tpu.memory_space<hbm>> -> memref<79x128xi32, #tpu.memory_space<hbm>>
      %dma_start3A_18 = arith.constant 0 : i32
      %dma_start3A_19 = arith.constant 0 : i32
      %dma_start3A_20 = tpu.memref_slice %arg4[%add3A, %dma_start3A_18, %dma_start3A_19] : memref<32x79x128xi32, #tpu.memory_space<hbm>> -> memref<1x79x128xi32, #tpu.memory_space<hbm>>
      %dma_start3A_21 = tpu.memref_squeeze %dma_start3A_20 : memref<1x79x128xi32, #tpu.memory_space<hbm>> -> memref<79x128xi32, #tpu.memory_space<hbm>>
      tpu.enqueue_dma source(%dma_start3A_21 : memref<79x128xi32, #tpu.memory_space<hbm>>) target(%arg8 : memref<79x128xi32, #tpu.memory_space<vmem>>) target_semaphore(%run_scoped3A : memref<!tpu.dma_semaphore, #tpu.memory_space<semaphore_mem>>)
      %dma_wait3A = arith.constant 0 : i32
      %dma_wait3A_22 = arith.constant 0 : i32
      %dma_wait3A_23 = tpu.memref_slice %arg4[%add3A, %dma_wait3A, %dma_wait3A_22] : memref<32x79x128xi32, #tpu.memory_space<hbm>> -> memref<1x79x128xi32, #tpu.memory_space<hbm>>
      %dma_wait3A_24 = tpu.memref_squeeze %dma_wait3A_23 : memref<1x79x128xi32, #tpu.memory_space<hbm>> -> memref<79x128xi32, #tpu.memory_space<hbm>>
      %dma_wait3A_25 = arith.constant 0 : i32
      %dma_wait3A_26 = arith.constant 0 : i32
      %dma_wait3A_27 = tpu.memref_slice %arg4[%add3A, %dma_wait3A_25, %dma_wait3A_26] : memref<32x79x128xi32, #tpu.memory_space<hbm>> -> memref<1x79x128xi32, #tpu.memory_space<hbm>>
      %dma_wait3A_28 = tpu.memref_squeeze %dma_wait3A_27 : memref<1x79x128xi32, #tpu.memory_space<hbm>> -> memref<79x128xi32, #tpu.memory_space<hbm>>
      tpu.wait_dma2 semaphore(%run_scoped3A : memref<!tpu.dma_semaphore, #tpu.memory_space<semaphore_mem>>) src(%dma_wait3A_28 : memref<79x128xi32, #tpu.memory_space<hbm>>) dst(%arg8 : memref<79x128xi32, #tpu.memory_space<vmem>>)
      tpu.yield
    }) : () -> ()
    %mul3A_1 = arith.constant 640 : i32
    %mul3A_2 = arith.muli %arg1, %mul3A_1 : i32
    %mul3A_3 = arith.constant 640 : i32
    %mul3A_4 = arith.muli %arg1, %mul3A_3 : i32
    "tpu.region"() ({
      %run_scoped3A = tpu.sem_alloc : memref<!tpu.dma_semaphore, #tpu.memory_space<semaphore_mem>>
      %dma_start3A = arith.constant 0 : i32
      %dma_start3A_15 = tpu.memref_slice %arg10[%mul3A_4, %dma_start3A] : memref<10240x128xf32, #tpu.memory_space<vmem_shared>> -> memref<640x128xf32, #tpu.memory_space<vmem_shared>>
      %dma_start3A_16 = arith.constant 0 : i32
      %dma_start3A_17 = tpu.memref_slice %arg5[%mul3A_2, %dma_start3A_16] : memref<10240x128xf32, #tpu.memory_space<hbm>> -> memref<640x128xf32, #tpu.memory_space<hbm>>
      tpu.enqueue_dma source(%dma_start3A_17 : memref<640x128xf32, #tpu.memory_space<hbm>>) target(%dma_start3A_15 : memref<640x128xf32, #tpu.memory_space<vmem_shared>>) target_semaphore(%run_scoped3A : memref<!tpu.dma_semaphore, #tpu.memory_space<semaphore_mem>>)
      %dma_wait3A = arith.constant 0 : i32
      %dma_wait3A_18 = tpu.memref_slice %arg10[%mul3A_4, %dma_wait3A] : memref<10240x128xf32, #tpu.memory_space<vmem_shared>> -> memref<640x128xf32, #tpu.memory_space<vmem_shared>>
      %dma_wait3A_19 = arith.constant 0 : i32
      %dma_wait3A_20 = tpu.memref_slice %arg5[%mul3A_2, %dma_wait3A_19] : memref<10240x128xf32, #tpu.memory_space<hbm>> -> memref<640x128xf32, #tpu.memory_space<hbm>>
      tpu.wait_dma2 semaphore(%run_scoped3A : memref<!tpu.dma_semaphore, #tpu.memory_space<semaphore_mem>>) src(%dma_wait3A_20 : memref<640x128xf32, #tpu.memory_space<hbm>>) dst(%dma_wait3A_18 : memref<640x128xf32, #tpu.memory_space<vmem_shared>>)
      tpu.yield
    }) : () -> ()
    %barrier3A = arith.constant 0 : index
    tpu.barrier barrier_id(%barrier3A)
    %scan3A = arith.constant 0 : i32
    %scan3A_5 = arith.constant 0 : i32
    %scan3A_6 = arith.constant 79 : i32
    %scan3A_7 = arith.addi %scan3A_5, %scan3A_6 : i32
    %scan3A_8 = arith.constant 1 : i32
    scf.for %scan3A_15 = %scan3A_5 to %scan3A_7 step %scan3A_8  : i32 {
      %dma_start3A = arith.constant 0 : i32
      %dma_start3A_16 = tpu.memref_slice %arg7[%scan3A_15, %dma_start3A] : memref<79x128xi32, #tpu.memory_space<vmem>> -> memref<1x128xi32, #tpu.memory_space<vmem>>
      %dma_start3A_17 = tpu.memref_squeeze %dma_start3A_16 : memref<1x128xi32, #tpu.memory_space<vmem>> -> memref<128xi32, #tpu.memory_space<vmem>>
      %dma_start3A_18 = arith.constant 0 : i32
      %dma_start3A_19 = arith.constant 0 : i32
      %dma_start3A_20 = tpu.memref_slice %arg2[%dma_start3A_18, %dma_start3A_19] : memref<10240x128xf32, #tpu.memory_space<hbm>> -> memref<10240x128xf32, #tpu.memory_space<hbm>>
      tpu.enqueue_indirect_dma source(%dma_start3A_20 : memref<10240x128xf32, #tpu.memory_space<hbm>>) target(%arg9 : memref<128x128xf32, #tpu.memory_space<vmem>>) offsets(%dma_start3A_17 : memref<128xi32, #tpu.memory_space<vmem>>) semaphore(%arg11 : memref<!tpu.dma_semaphore, #tpu.memory_space<semaphore_mem>>)
      %dma_wait3A = arith.constant 0 : i32
      %dma_wait3A_21 = tpu.memref_slice %arg7[%scan3A_15, %dma_wait3A] : memref<79x128xi32, #tpu.memory_space<vmem>> -> memref<1x128xi32, #tpu.memory_space<vmem>>
      %dma_wait3A_22 = tpu.memref_squeeze %dma_wait3A_21 : memref<1x128xi32, #tpu.memory_space<vmem>> -> memref<128xi32, #tpu.memory_space<vmem>>
      %dma_wait3A_23 = arith.constant 0 : i32
      %dma_wait3A_24 = arith.constant 0 : i32
      %dma_wait3A_25 = tpu.memref_slice %arg2[%dma_wait3A_23, %dma_wait3A_24] : memref<10240x128xf32, #tpu.memory_space<hbm>> -> memref<10240x128xf32, #tpu.memory_space<hbm>>
      tpu.wait_indirect_dma semaphore(%arg11 : memref<!tpu.dma_semaphore, #tpu.memory_space<semaphore_mem>>) src(%dma_wait3A_25 : memref<10240x128xf32, #tpu.memory_space<hbm>>) dst(%arg9 : memref<128x128xf32, #tpu.memory_space<vmem>>)
      "tpu.region"() ({
        %run_scoped3A = tpu.sem_alloc : memref<!tpu.dma_semaphore, #tpu.memory_space<semaphore_mem>>
        %dma_start3A_26 = arith.constant 0 : i32
        %dma_start3A_27 = tpu.memref_slice %arg8[%scan3A_15, %dma_start3A_26] : memref<79x128xi32, #tpu.memory_space<vmem>> -> memref<1x128xi32, #tpu.memory_space<vmem>>
        %dma_start3A_28 = tpu.memref_squeeze %dma_start3A_27 : memref<1x128xi32, #tpu.memory_space<vmem>> -> memref<128xi32, #tpu.memory_space<vmem>>
        %dma_start3A_29 = arith.constant 0 : i32
        %dma_start3A_30 = arith.constant 0 : i32
        %dma_start3A_31 = tpu.memref_slice %arg10[%dma_start3A_29, %dma_start3A_30] : memref<10240x128xf32, #tpu.memory_space<vmem_shared>> -> memref<10240x128xf32, #tpu.memory_space<vmem_shared>>
        tpu.enqueue_indirect_dma source(%arg9 : memref<128x128xf32, #tpu.memory_space<vmem>>) target(%dma_start3A_31 : memref<10240x128xf32, #tpu.memory_space<vmem_shared>>) offsets(%dma_start3A_28 : memref<128xi32, #tpu.memory_space<vmem>>) semaphore(%run_scoped3A : memref<!tpu.dma_semaphore, #tpu.memory_space<semaphore_mem>>) {add = true}
        %dma_wait3A_32 = arith.constant 0 : i32
        %dma_wait3A_33 = tpu.memref_slice %arg8[%scan3A_15, %dma_wait3A_32] : memref<79x128xi32, #tpu.memory_space<vmem>> -> memref<1x128xi32, #tpu.memory_space<vmem>>
        %dma_wait3A_34 = tpu.memref_squeeze %dma_wait3A_33 : memref<1x128xi32, #tpu.memory_space<vmem>> -> memref<128xi32, #tpu.memory_space<vmem>>
        %dma_wait3A_35 = arith.constant 0 : i32
        %dma_wait3A_36 = arith.constant 0 : i32
        %dma_wait3A_37 = tpu.memref_slice %arg10[%dma_wait3A_35, %dma_wait3A_36] : memref<10240x128xf32, #tpu.memory_space<vmem_shared>> -> memref<10240x128xf32, #tpu.memory_space<vmem_shared>>
        tpu.wait_indirect_dma semaphore(%run_scoped3A : memref<!tpu.dma_semaphore, #tpu.memory_space<semaphore_mem>>) src(%arg9 : memref<128x128xf32, #tpu.memory_space<vmem>>) dst(%dma_wait3A_37 : memref<10240x128xf32, #tpu.memory_space<vmem_shared>>)
        tpu.yield
      }) : () -> ()
    }
    %scan3A_9 = arith.constant 79 : i32
    %barrier3A_10 = arith.constant 0 : index
    tpu.barrier barrier_id(%barrier3A_10)
    %mul3A_11 = arith.constant 640 : i32
    %mul3A_12 = arith.muli %arg1, %mul3A_11 : i32
    %mul3A_13 = arith.constant 640 : i32
    %mul3A_14 = arith.muli %arg1, %mul3A_13 : i32
    "tpu.region"() ({
      %run_scoped3A = tpu.sem_alloc : memref<!tpu.dma_semaphore, #tpu.memory_space<semaphore_mem>>
      %dma_start3A = arith.constant 0 : i32
      %dma_start3A_15 = tpu.memref_slice %arg6[%arg0, %mul3A_14, %dma_start3A] : memref<2x10240x128xf32, #tpu.memory_space<hbm>> -> memref<1x640x128xf32, #tpu.memory_space<hbm>>
      %dma_start3A_16 = tpu.memref_squeeze %dma_start3A_15 : memref<1x640x128xf32, #tpu.memory_space<hbm>> -> memref<640x128xf32, #tpu.memory_space<hbm>>
      %dma_start3A_17 = arith.constant 0 : i32
      %dma_start3A_18 = tpu.memref_slice %arg10[%mul3A_12, %dma_start3A_17] : memref<10240x128xf32, #tpu.memory_space<vmem_shared>> -> memref<640x128xf32, #tpu.memory_space<vmem_shared>>
      tpu.enqueue_dma source(%dma_start3A_18 : memref<640x128xf32, #tpu.memory_space<vmem_shared>>) target(%dma_start3A_16 : memref<640x128xf32, #tpu.memory_space<hbm>>) target_semaphore(%run_scoped3A : memref<!tpu.dma_semaphore, #tpu.memory_space<semaphore_mem>>)
      %dma_wait3A = arith.constant 0 : i32
      %dma_wait3A_19 = tpu.memref_slice %arg6[%arg0, %mul3A_14, %dma_wait3A] : memref<2x10240x128xf32, #tpu.memory_space<hbm>> -> memref<1x640x128xf32, #tpu.memory_space<hbm>>
      %dma_wait3A_20 = tpu.memref_squeeze %dma_wait3A_19 : memref<1x640x128xf32, #tpu.memory_space<hbm>> -> memref<640x128xf32, #tpu.memory_space<hbm>>
      %dma_wait3A_21 = arith.constant 0 : i32
      %dma_wait3A_22 = tpu.memref_slice %arg10[%mul3A_12, %dma_wait3A_21] : memref<10240x128xf32, #tpu.memory_space<vmem_shared>> -> memref<640x128xf32, #tpu.memory_space<vmem_shared>>
      tpu.wait_dma2 semaphore(%run_scoped3A : memref<!tpu.dma_semaphore, #tpu.memory_space<semaphore_mem>>) src(%dma_wait3A_22 : memref<640x128xf32, #tpu.memory_space<vmem_shared>>) dst(%dma_wait3A_20 : memref<640x128xf32, #tpu.memory_space<hbm>>)
      tpu.yield
    }) : () -> ()
    return
  }
}

#map = affine_map<(d0, d1) -> (0, 0)>
#map1 = affine_map<(d0, d1) -> (0, 0, 0)>
module attributes {stable_mosaic.version = 14 : i64} {
  func.func @body(%arg0: i32, %arg1: i32, %arg2: memref<10240x16xf32, #tpu.memory_space<hbm>>, %arg3: memref<32x79x128xi32, #tpu.memory_space<hbm>>, %arg4: memref<32x79x128xi32, #tpu.memory_space<hbm>>, %arg5: memref<10240x16xf32, #tpu.memory_space<hbm>>, %arg6: memref<2x10240x16xf32, #tpu.memory_space<hbm>>, %arg7: memref<79x128xi32, #tpu.memory_space<vmem>>, %arg8: memref<79x128xi32, #tpu.memory_space<vmem>>, %arg9: memref<128x16xf32, #tpu.memory_space<vmem>>, %arg10: memref<10240x16xf32, #tpu.memory_space<vmem_shared>>, %arg11: memref<!tpu.dma_semaphore, #tpu.memory_space<semaphore_mem>>) attributes {dimension_semantics = [#tpu.dimension_semantics<core_parallel>, #tpu.dimension_semantics<subcore_parallel>], iteration_bounds = array<i64: 2, 16>, scalar_prefetch = 0 : i64, scratch_operands = 5 : i64, tpu.core_type = #tpu.core_type<sc_vector_subcore>, window_params = [{transform_indices = #map}, {transform_indices = #map1}, {transform_indices = #map1}, {transform_indices = #map}, {transform_indices = #map1}]} {
    %mul3A = arith.constant 2 : i32
    %mul3A_0 = arith.muli %arg1, %mul3A : i32
    %add3A = arith.addi %mul3A_0, %arg0 : i32
    "tpu.region"() ({
      %run_scoped3A = tpu.sem_alloc : memref<!tpu.dma_semaphore, #tpu.memory_space<semaphore_mem>>
      %dma_start3A = arith.constant 0 : i32
      %dma_start3A_15 = arith.constant 0 : i32
      %dma_start3A_16 = tpu.memref_slice %arg3[%add3A, %dma_start3A, %dma_start3A_15] : memref<32x79x128xi32, #tpu.memory_space<hbm>> -> memref<1x79x128xi32, #tpu.memory_space<hbm>>
      %dma_start3A_17 = tpu.memref_squeeze %dma_start3A_16 : memref<1x79x128xi32, #tpu.memory_space<hbm>> -> memref<79x128xi32, #tpu.memory_space<hbm>>
      %dma_start3A_18 = arith.constant 0 : i32
      %dma_start3A_19 = arith.constant 0 : i32
      %dma_start3A_20 = tpu.memref_slice %arg3[%add3A, %dma_start3A_18, %dma_start3A_19] : memref<32x79x128xi32, #tpu.memory_space<hbm>> -> memref<1x79x128xi32, #tpu.memory_space<hbm>>
      %dma_start3A_21 = tpu.memref_squeeze %dma_start3A_20 : memref<1x79x128xi32, #tpu.memory_space<hbm>> -> memref<79x128xi32, #tpu.memory_space<hbm>>
      tpu.enqueue_dma source(%dma_start3A_21 : memref<79x128xi32, #tpu.memory_space<hbm>>) target(%arg7 : memref<79x128xi32, #tpu.memory_space<vmem>>) target_semaphore(%run_scoped3A : memref<!tpu.dma_semaphore, #tpu.memory_space<semaphore_mem>>)
      %dma_wait3A = arith.constant 0 : i32
      %dma_wait3A_22 = arith.constant 0 : i32
      %dma_wait3A_23 = tpu.memref_slice %arg3[%add3A, %dma_wait3A, %dma_wait3A_22] : memref<32x79x128xi32, #tpu.memory_space<hbm>> -> memref<1x79x128xi32, #tpu.memory_space<hbm>>
      %dma_wait3A_24 = tpu.memref_squeeze %dma_wait3A_23 : memref<1x79x128xi32, #tpu.memory_space<hbm>> -> memref<79x128xi32, #tpu.memory_space<hbm>>
      %dma_wait3A_25 = arith.constant 0 : i32
      %dma_wait3A_26 = arith.constant 0 : i32
      %dma_wait3A_27 = tpu.memref_slice %arg3[%add3A, %dma_wait3A_25, %dma_wait3A_26] : memref<32x79x128xi32, #tpu.memory_space<hbm>> -> memref<1x79x128xi32, #tpu.memory_space<hbm>>
      %dma_wait3A_28 = tpu.memref_squeeze %dma_wait3A_27 : memref<1x79x128xi32, #tpu.memory_space<hbm>> -> memref<79x128xi32, #tpu.memory_space<hbm>>
      tpu.wait_dma2 semaphore(%run_scoped3A : memref<!tpu.dma_semaphore, #tpu.memory_space<semaphore_mem>>) src(%dma_wait3A_28 : memref<79x128xi32, #tpu.memory_space<hbm>>) dst(%arg7 : memref<79x128xi32, #tpu.memory_space<vmem>>)
      tpu.yield
    }) : () -> ()
    "tpu.region"() ({
      %run_scoped3A = tpu.sem_alloc : memref<!tpu.dma_semaphore, #tpu.memory_space<semaphore_mem>>
      %dma_start3A = arith.constant 0 : i32
      %dma_start3A_15 = arith.constant 0 : i32
      %dma_start3A_16 = tpu.memref_slice %arg4[%add3A, %dma_start3A, %dma_start3A_15] : memref<32x79x128xi32, #tpu.memory_space<hbm>> -> memref<1x79x128xi32, #tpu.memory_space<hbm>>
      %dma_start3A_17 = tpu.memref_squeeze %dma_start3A_16 : memref<1x79x128xi32, #tpu.memory_space<hbm>> -> memref<79x128xi32, #tpu.memory_space<hbm>>
      %dma_start3A_18 = arith.constant 0 : i32
      %dma_start3A_19 = arith.constant 0 : i32
      %dma_start3A_20 = tpu.memref_slice %arg4[%add3A, %dma_start3A_18, %dma_start3A_19] : memref<32x79x128xi32, #tpu.memory_space<hbm>> -> memref<1x79x128xi32, #tpu.memory_space<hbm>>
      %dma_start3A_21 = tpu.memref_squeeze %dma_start3A_20 : memref<1x79x128xi32, #tpu.memory_space<hbm>> -> memref<79x128xi32, #tpu.memory_space<hbm>>
      tpu.enqueue_dma source(%dma_start3A_21 : memref<79x128xi32, #tpu.memory_space<hbm>>) target(%arg8 : memref<79x128xi32, #tpu.memory_space<vmem>>) target_semaphore(%run_scoped3A : memref<!tpu.dma_semaphore, #tpu.memory_space<semaphore_mem>>)
      %dma_wait3A = arith.constant 0 : i32
      %dma_wait3A_22 = arith.constant 0 : i32
      %dma_wait3A_23 = tpu.memref_slice %arg4[%add3A, %dma_wait3A, %dma_wait3A_22] : memref<32x79x128xi32, #tpu.memory_space<hbm>> -> memref<1x79x128xi32, #tpu.memory_space<hbm>>
      %dma_wait3A_24 = tpu.memref_squeeze %dma_wait3A_23 : memref<1x79x128xi32, #tpu.memory_space<hbm>> -> memref<79x128xi32, #tpu.memory_space<hbm>>
      %dma_wait3A_25 = arith.constant 0 : i32
      %dma_wait3A_26 = arith.constant 0 : i32
      %dma_wait3A_27 = tpu.memref_slice %arg4[%add3A, %dma_wait3A_25, %dma_wait3A_26] : memref<32x79x128xi32, #tpu.memory_space<hbm>> -> memref<1x79x128xi32, #tpu.memory_space<hbm>>
      %dma_wait3A_28 = tpu.memref_squeeze %dma_wait3A_27 : memref<1x79x128xi32, #tpu.memory_space<hbm>> -> memref<79x128xi32, #tpu.memory_space<hbm>>
      tpu.wait_dma2 semaphore(%run_scoped3A : memref<!tpu.dma_semaphore, #tpu.memory_space<semaphore_mem>>) src(%dma_wait3A_28 : memref<79x128xi32, #tpu.memory_space<hbm>>) dst(%arg8 : memref<79x128xi32, #tpu.memory_space<vmem>>)
      tpu.yield
    }) : () -> ()
    %mul3A_1 = arith.constant 640 : i32
    %mul3A_2 = arith.muli %arg1, %mul3A_1 : i32
    %mul3A_3 = arith.constant 640 : i32
    %mul3A_4 = arith.muli %arg1, %mul3A_3 : i32
    "tpu.region"() ({
      %run_scoped3A = tpu.sem_alloc : memref<!tpu.dma_semaphore, #tpu.memory_space<semaphore_mem>>
      %dma_start3A = arith.constant 0 : i32
      %dma_start3A_15 = tpu.memref_slice %arg10[%mul3A_4, %dma_start3A] : memref<10240x16xf32, #tpu.memory_space<vmem_shared>> -> memref<640x16xf32, #tpu.memory_space<vmem_shared>>
      %dma_start3A_16 = arith.constant 0 : i32
      %dma_start3A_17 = tpu.memref_slice %arg5[%mul3A_2, %dma_start3A_16] : memref<10240x16xf32, #tpu.memory_space<hbm>> -> memref<640x16xf32, #tpu.memory_space<hbm>>
      tpu.enqueue_dma source(%dma_start3A_17 : memref<640x16xf32, #tpu.memory_space<hbm>>) target(%dma_start3A_15 : memref<640x16xf32, #tpu.memory_space<vmem_shared>>) target_semaphore(%run_scoped3A : memref<!tpu.dma_semaphore, #tpu.memory_space<semaphore_mem>>)
      %dma_wait3A = arith.constant 0 : i32
      %dma_wait3A_18 = tpu.memref_slice %arg10[%mul3A_4, %dma_wait3A] : memref<10240x16xf32, #tpu.memory_space<vmem_shared>> -> memref<640x16xf32, #tpu.memory_space<vmem_shared>>
      %dma_wait3A_19 = arith.constant 0 : i32
      %dma_wait3A_20 = tpu.memref_slice %arg5[%mul3A_2, %dma_wait3A_19] : memref<10240x16xf32, #tpu.memory_space<hbm>> -> memref<640x16xf32, #tpu.memory_space<hbm>>
      tpu.wait_dma2 semaphore(%run_scoped3A : memref<!tpu.dma_semaphore, #tpu.memory_space<semaphore_mem>>) src(%dma_wait3A_20 : memref<640x16xf32, #tpu.memory_space<hbm>>) dst(%dma_wait3A_18 : memref<640x16xf32, #tpu.memory_space<vmem_shared>>)
      tpu.yield
    }) : () -> ()
    %barrier3A = arith.constant 0 : index
    tpu.barrier barrier_id(%barrier3A)
    %scan3A = arith.constant 0 : i32
    %scan3A_5 = arith.constant 0 : i32
    %scan3A_6 = arith.constant 79 : i32
    %scan3A_7 = arith.addi %scan3A_5, %scan3A_6 : i32
    %scan3A_8 = arith.constant 1 : i32
    scf.for %scan3A_15 = %scan3A_5 to %scan3A_7 step %scan3A_8  : i32 {
      %dma_start3A = arith.constant 0 : i32
      %dma_start3A_16 = tpu.memref_slice %arg7[%scan3A_15, %dma_start3A] : memref<79x128xi32, #tpu.memory_space<vmem>> -> memref<1x128xi32, #tpu.memory_space<vmem>>
      %dma_start3A_17 = tpu.memref_squeeze %dma_start3A_16 : memref<1x128xi32, #tpu.memory_space<vmem>> -> memref<128xi32, #tpu.memory_space<vmem>>
      %dma_start3A_18 = arith.constant 0 : i32
      %dma_start3A_19 = arith.constant 0 : i32
      %dma_start3A_20 = tpu.memref_slice %arg2[%dma_start3A_18, %dma_start3A_19] : memref<10240x16xf32, #tpu.memory_space<hbm>> -> memref<10240x16xf32, #tpu.memory_space<hbm>>
      tpu.enqueue_indirect_dma source(%dma_start3A_20 : memref<10240x16xf32, #tpu.memory_space<hbm>>) target(%arg9 : memref<128x16xf32, #tpu.memory_space<vmem>>) offsets(%dma_start3A_17 : memref<128xi32, #tpu.memory_space<vmem>>) semaphore(%arg11 : memref<!tpu.dma_semaphore, #tpu.memory_space<semaphore_mem>>)
      %dma_wait3A = arith.constant 0 : i32
      %dma_wait3A_21 = tpu.memref_slice %arg7[%scan3A_15, %dma_wait3A] : memref<79x128xi32, #tpu.memory_space<vmem>> -> memref<1x128xi32, #tpu.memory_space<vmem>>
      %dma_wait3A_22 = tpu.memref_squeeze %dma_wait3A_21 : memref<1x128xi32, #tpu.memory_space<vmem>> -> memref<128xi32, #tpu.memory_space<vmem>>
      %dma_wait3A_23 = arith.constant 0 : i32
      %dma_wait3A_24 = arith.constant 0 : i32
      %dma_wait3A_25 = tpu.memref_slice %arg2[%dma_wait3A_23, %dma_wait3A_24] : memref<10240x16xf32, #tpu.memory_space<hbm>> -> memref<10240x16xf32, #tpu.memory_space<hbm>>
      tpu.wait_indirect_dma semaphore(%arg11 : memref<!tpu.dma_semaphore, #tpu.memory_space<semaphore_mem>>) src(%dma_wait3A_25 : memref<10240x16xf32, #tpu.memory_space<hbm>>) dst(%arg9 : memref<128x16xf32, #tpu.memory_space<vmem>>)
      "tpu.region"() ({
        %run_scoped3A = tpu.sem_alloc : memref<!tpu.dma_semaphore, #tpu.memory_space<semaphore_mem>>
        %dma_start3A_26 = arith.constant 0 : i32
        %dma_start3A_27 = tpu.memref_slice %arg8[%scan3A_15, %dma_start3A_26] : memref<79x128xi32, #tpu.memory_space<vmem>> -> memref<1x128xi32, #tpu.memory_space<vmem>>
        %dma_start3A_28 = tpu.memref_squeeze %dma_start3A_27 : memref<1x128xi32, #tpu.memory_space<vmem>> -> memref<128xi32, #tpu.memory_space<vmem>>
        %dma_start3A_29 = arith.constant 0 : i32
        %dma_start3A_30 = arith.constant 0 : i32
        %dma_start3A_31 = tpu.memref_slice %arg10[%dma_start3A_29, %dma_start3A_30] : memref<10240x16xf32, #tpu.memory_space<vmem_shared>> -> memref<10240x16xf32, #tpu.memory_space<vmem_shared>>
        tpu.enqueue_indirect_dma source(%arg9 : memref<128x16xf32, #tpu.memory_space<vmem>>) target(%dma_start3A_31 : memref<10240x16xf32, #tpu.memory_space<vmem_shared>>) offsets(%dma_start3A_28 : memref<128xi32, #tpu.memory_space<vmem>>) semaphore(%run_scoped3A : memref<!tpu.dma_semaphore, #tpu.memory_space<semaphore_mem>>) {add = true}
        %dma_wait3A_32 = arith.constant 0 : i32
        %dma_wait3A_33 = tpu.memref_slice %arg8[%scan3A_15, %dma_wait3A_32] : memref<79x128xi32, #tpu.memory_space<vmem>> -> memref<1x128xi32, #tpu.memory_space<vmem>>
        %dma_wait3A_34 = tpu.memref_squeeze %dma_wait3A_33 : memref<1x128xi32, #tpu.memory_space<vmem>> -> memref<128xi32, #tpu.memory_space<vmem>>
        %dma_wait3A_35 = arith.constant 0 : i32
        %dma_wait3A_36 = arith.constant 0 : i32
        %dma_wait3A_37 = tpu.memref_slice %arg10[%dma_wait3A_35, %dma_wait3A_36] : memref<10240x16xf32, #tpu.memory_space<vmem_shared>> -> memref<10240x16xf32, #tpu.memory_space<vmem_shared>>
        tpu.wait_indirect_dma semaphore(%run_scoped3A : memref<!tpu.dma_semaphore, #tpu.memory_space<semaphore_mem>>) src(%arg9 : memref<128x16xf32, #tpu.memory_space<vmem>>) dst(%dma_wait3A_37 : memref<10240x16xf32, #tpu.memory_space<vmem_shared>>)
        tpu.yield
      }) : () -> ()
    }
    %scan3A_9 = arith.constant 79 : i32
    %barrier3A_10 = arith.constant 0 : index
    tpu.barrier barrier_id(%barrier3A_10)
    %mul3A_11 = arith.constant 640 : i32
    %mul3A_12 = arith.muli %arg1, %mul3A_11 : i32
    %mul3A_13 = arith.constant 640 : i32
    %mul3A_14 = arith.muli %arg1, %mul3A_13 : i32
    "tpu.region"() ({
      %run_scoped3A = tpu.sem_alloc : memref<!tpu.dma_semaphore, #tpu.memory_space<semaphore_mem>>
      %dma_start3A = arith.constant 0 : i32
      %dma_start3A_15 = tpu.memref_slice %arg6[%arg0, %mul3A_14, %dma_start3A] : memref<2x10240x16xf32, #tpu.memory_space<hbm>> -> memref<1x640x16xf32, #tpu.memory_space<hbm>>
      %dma_start3A_16 = tpu.memref_squeeze %dma_start3A_15 : memref<1x640x16xf32, #tpu.memory_space<hbm>> -> memref<640x16xf32, #tpu.memory_space<hbm>>
      %dma_start3A_17 = arith.constant 0 : i32
      %dma_start3A_18 = tpu.memref_slice %arg10[%mul3A_12, %dma_start3A_17] : memref<10240x16xf32, #tpu.memory_space<vmem_shared>> -> memref<640x16xf32, #tpu.memory_space<vmem_shared>>
      tpu.enqueue_dma source(%dma_start3A_18 : memref<640x16xf32, #tpu.memory_space<vmem_shared>>) target(%dma_start3A_16 : memref<640x16xf32, #tpu.memory_space<hbm>>) target_semaphore(%run_scoped3A : memref<!tpu.dma_semaphore, #tpu.memory_space<semaphore_mem>>)
      %dma_wait3A = arith.constant 0 : i32
      %dma_wait3A_19 = tpu.memref_slice %arg6[%arg0, %mul3A_14, %dma_wait3A] : memref<2x10240x16xf32, #tpu.memory_space<hbm>> -> memref<1x640x16xf32, #tpu.memory_space<hbm>>
      %dma_wait3A_20 = tpu.memref_squeeze %dma_wait3A_19 : memref<1x640x16xf32, #tpu.memory_space<hbm>> -> memref<640x16xf32, #tpu.memory_space<hbm>>
      %dma_wait3A_21 = arith.constant 0 : i32
      %dma_wait3A_22 = tpu.memref_slice %arg10[%mul3A_12, %dma_wait3A_21] : memref<10240x16xf32, #tpu.memory_space<vmem_shared>> -> memref<640x16xf32, #tpu.memory_space<vmem_shared>>
      tpu.wait_dma2 semaphore(%run_scoped3A : memref<!tpu.dma_semaphore, #tpu.memory_space<semaphore_mem>>) src(%dma_wait3A_22 : memref<640x16xf32, #tpu.memory_space<vmem_shared>>) dst(%dma_wait3A_20 : memref<640x16xf32, #tpu.memory_space<hbm>>)
      tpu.yield
    }) : () -> ()
    return
  }
}

module attributes {stable_mosaic.version = 14 : i64} {
  func.func @body(%arg0: i32, %arg1: memref<1024x128xf32, #tpu.memory_space<vmem>>, %arg2: memref<128x128xf32, #tpu.memory_space<vmem>>, %arg3: memref<2x1024x16xf32, #tpu.memory_space<vmem>>, %arg4: memref<1024x128xf32, #tpu.memory_space<vmem>>) attributes {dimension_semantics = [#tpu.dimension_semantics<arbitrary>], iteration_bounds = array<i64: 10>, scalar_prefetch = 0 : i64, scratch_operands = 0 : i64, tpu.core_type = #tpu.core_type<tc>, window_params = [{transform_indices = @transform_0, window_bounds = array<i64: 1024, 128>}, {pipeline_mode = #tpu.pipeline_mode<synchronous>, transform_indices = @transform_1, window_bounds = array<i64: 128, 128>}, {transform_indices = @transform_2, window_bounds = array<i64: 2, 1024, 16>}, {transform_indices = @transform_3, window_bounds = array<i64: 1024, 128>}]} {
    %get3A = arith.constant 0 : index
    %get3A_0 = arith.constant 0 : index
    %get3A_1 = arith.constant 0 : index
    %get3A_2 = vector.load %arg3[%get3A, %get3A_0, %get3A_1] : memref<2x1024x16xf32, #tpu.memory_space<vmem>>, vector<1x1024x1xf32>
    %get3A_3 = vector.shape_cast %get3A_2 : vector<1x1024x1xf32> to vector<1024x1xf32>
    %get3A_4 = arith.constant 1 : index
    %get3A_5 = arith.constant 0 : index
    %get3A_6 = arith.constant 0 : index
    %get3A_7 = vector.load %arg3[%get3A_4, %get3A_5, %get3A_6] : memref<2x1024x16xf32, #tpu.memory_space<vmem>>, vector<1x1024x1xf32>
    %get3A_8 = vector.shape_cast %get3A_7 : vector<1x1024x1xf32> to vector<1024x1xf32>
    %add3A = arith.addf %get3A_3, %get3A_8 : vector<1024x1xf32>
    %add3A_9 = arith.constant 1.000000e+00 : f32
    %add3A_10 = vector.broadcast %add3A_9 : f32 to vector<1024x1xf32>
    %add3A_11 = arith.addf %add3A, %add3A_10 : vector<1024x1xf32>
    %rsqrt3A = math.rsqrt %add3A_11 : vector<1024x1xf32>
    %get3A_12 = arith.constant 0 : index
    %get3A_13 = arith.constant 0 : index
    %get3A_14 = vector.load %arg1[%get3A_12, %get3A_13] : memref<1024x128xf32, #tpu.memory_space<vmem>>, vector<1024x128xf32>
    %get3A_15 = arith.constant 0 : index
    %get3A_16 = arith.constant 0 : index
    %get3A_17 = vector.load %arg2[%get3A_15, %get3A_16] : memref<128x128xf32, #tpu.memory_space<vmem>>, vector<128x128xf32>
    %dot_general3A = arith.constant dense<0.000000e+00> : vector<1024x128xf32>
    %dot_general3A_18 = tpu.matmul %get3A_14, %get3A_17, %dot_general3A {dimension_numbers = #tpu.dot_dimension_numbers<[1], [0], [0], [1], [0, 0, 1, 1], [], []>, transpose_lhs_hint = false} : vector<1024x128xf32>, vector<128x128xf32>, vector<1024x128xf32> -> vector<1024x128xf32>
    %mul3A = vector.broadcast %rsqrt3A : vector<1024x1xf32> to vector<1024x128xf32>
    %mul3A_19 = arith.mulf %mul3A, %dot_general3A_18 : vector<1024x128xf32>
    %swap3A = arith.constant 0 : index
    %swap3A_20 = arith.constant 0 : index
    %swap3A_21 = vector.load %arg4[%swap3A, %swap3A_20] : memref<1024x128xf32, #tpu.memory_space<vmem>>, vector<1024x128xf32>
    tpu.vector_store %arg4[%swap3A, %swap3A_20], %mul3A_19 {strides = array<i32>} : memref<1024x128xf32, #tpu.memory_space<vmem>>, vector<1024x128xf32>,
    return
  }
  func.func @transform_0(%arg0: i32) -> (i32, i32) {
    %c0_i32 = arith.constant 0 : i32
    %c0_i32_0 = arith.constant 0 : i32
    return %arg0, %c0_i32 : i32, i32
  }
  func.func @transform_1(%arg0: i32) -> (i32, i32) {
    %c0_i32 = arith.constant 0 : i32
    %c0_i32_0 = arith.constant 0 : i32
    %c0_i32_1 = arith.constant 0 : i32
    return %c0_i32, %c0_i32_0 : i32, i32
  }
  func.func @transform_2(%arg0: i32) -> (i32, i32, i32) {
    %c0_i32 = arith.constant 0 : i32
    %c0_i32_0 = arith.constant 0 : i32
    %c0_i32_1 = arith.constant 0 : i32
    return %c0_i32, %arg0, %c0_i32_0 : i32, i32, i32
  }
  func.func @transform_3(%arg0: i32) -> (i32, i32) {
    %c0_i32 = arith.constant 0 : i32
    %c0_i32_0 = arith.constant 0 : i32
    return %arg0, %c0_i32 : i32, i32
  }
}

module attributes {stable_mosaic.version = 14 : i64} {
  func.func @body(%arg0: i32, %arg1: memref<2x1024x128xf32, #tpu.memory_space<vmem>>, %arg2: memref<1024x128xf32, #tpu.memory_space<vmem>>, %arg3: memref<1x128xf32, #tpu.memory_space<vmem>>, %arg4: memref<128x64xf32, #tpu.memory_space<vmem>>, %arg5: memref<2x1024x16xf32, #tpu.memory_space<vmem>>, %arg6: memref<1024x64xf32, #tpu.memory_space<vmem>>) attributes {dimension_semantics = [#tpu.dimension_semantics<arbitrary>], iteration_bounds = array<i64: 10>, scalar_prefetch = 0 : i64, scratch_operands = 0 : i64, tpu.core_type = #tpu.core_type<tc>, window_params = [{transform_indices = @transform_0, window_bounds = array<i64: 2, 1024, 128>}, {transform_indices = @transform_1, window_bounds = array<i64: 1024, 128>}, {pipeline_mode = #tpu.pipeline_mode<synchronous>, transform_indices = @transform_2, window_bounds = array<i64: 1, 128>}, {pipeline_mode = #tpu.pipeline_mode<synchronous>, transform_indices = @transform_3, window_bounds = array<i64: 128, 64>}, {transform_indices = @transform_4, window_bounds = array<i64: 2, 1024, 16>}, {transform_indices = @transform_5, window_bounds = array<i64: 1024, 64>}]} {
    %get3A = arith.constant 0 : index
    %get3A_0 = arith.constant 0 : index
    %get3A_1 = arith.constant 0 : index
    %get3A_2 = vector.load %arg5[%get3A, %get3A_0, %get3A_1] : memref<2x1024x16xf32, #tpu.memory_space<vmem>>, vector<1x1024x1xf32>
    %get3A_3 = vector.shape_cast %get3A_2 : vector<1x1024x1xf32> to vector<1024x1xf32>
    %get3A_4 = arith.constant 1 : index
    %get3A_5 = arith.constant 0 : index
    %get3A_6 = arith.constant 0 : index
    %get3A_7 = vector.load %arg5[%get3A_4, %get3A_5, %get3A_6] : memref<2x1024x16xf32, #tpu.memory_space<vmem>>, vector<1x1024x1xf32>
    %get3A_8 = vector.shape_cast %get3A_7 : vector<1x1024x1xf32> to vector<1024x1xf32>
    %add3A = arith.addf %get3A_3, %get3A_8 : vector<1024x1xf32>
    %add3A_9 = arith.constant 1.000000e+00 : f32
    %add3A_10 = vector.broadcast %add3A_9 : f32 to vector<1024x1xf32>
    %add3A_11 = arith.addf %add3A, %add3A_10 : vector<1024x1xf32>
    %rsqrt3A = math.rsqrt %add3A_11 : vector<1024x1xf32>
    %get3A_12 = arith.constant 0 : index
    %get3A_13 = arith.constant 0 : index
    %get3A_14 = arith.constant 0 : index
    %get3A_15 = vector.load %arg1[%get3A_12, %get3A_13, %get3A_14] : memref<2x1024x128xf32, #tpu.memory_space<vmem>>, vector<1x1024x128xf32>
    %get3A_16 = vector.shape_cast %get3A_15 : vector<1x1024x128xf32> to vector<1024x128xf32>
    %get3A_17 = arith.constant 1 : index
    %get3A_18 = arith.constant 0 : index
    %get3A_19 = arith.constant 0 : index
    %get3A_20 = vector.load %arg1[%get3A_17, %get3A_18, %get3A_19] : memref<2x1024x128xf32, #tpu.memory_space<vmem>>, vector<1x1024x128xf32>
    %get3A_21 = vector.shape_cast %get3A_20 : vector<1x1024x128xf32> to vector<1024x128xf32>
    %add3A_22 = arith.addf %get3A_16, %get3A_21 : vector<1024x128xf32>
    %get3A_23 = arith.constant 0 : index
    %get3A_24 = arith.constant 0 : index
    %get3A_25 = vector.load %arg2[%get3A_23, %get3A_24] : memref<1024x128xf32, #tpu.memory_space<vmem>>, vector<1024x128xf32>
    %add3A_26 = arith.addf %add3A_22, %get3A_25 : vector<1024x128xf32>
    %mul3A = vector.broadcast %rsqrt3A : vector<1024x1xf32> to vector<1024x128xf32>
    %mul3A_27 = arith.mulf %mul3A, %add3A_26 : vector<1024x128xf32>
    %get3A_28 = arith.constant 0 : index
    %get3A_29 = arith.constant 0 : index
    %get3A_30 = vector.load %arg3[%get3A_28, %get3A_29] : memref<1x128xf32, #tpu.memory_space<vmem>>, vector<1x128xf32>
    %add3A_31 = vector.broadcast %get3A_30 : vector<1x128xf32> to vector<1024x128xf32>
    %add3A_32 = arith.addf %mul3A_27, %add3A_31 : vector<1024x128xf32>
    %max3A = arith.constant 0.000000e+00 : f32
    %max3A_33 = vector.broadcast %max3A : f32 to vector<1024x128xf32>
    %max3A_34 = arith.maximumf %add3A_32, %max3A_33 : vector<1024x128xf32>
    %get3A_35 = arith.constant 0 : index
    %get3A_36 = arith.constant 0 : index
    %get3A_37 = vector.load %arg4[%get3A_35, %get3A_36] : memref<128x64xf32, #tpu.memory_space<vmem>>, vector<128x64xf32>
    %dot_general3A = arith.constant dense<0.000000e+00> : vector<1024x64xf32>
    %dot_general3A_38 = tpu.matmul %max3A_34, %get3A_37, %dot_general3A {dimension_numbers = #tpu.dot_dimension_numbers<[1], [0], [0], [1], [0, 0, 1, 1], [], []>, transpose_lhs_hint = false} : vector<1024x128xf32>, vector<128x64xf32>, vector<1024x64xf32> -> vector<1024x64xf32>
    %mul3A_39 = vector.broadcast %rsqrt3A : vector<1024x1xf32> to vector<1024x64xf32>
    %mul3A_40 = arith.mulf %mul3A_39, %dot_general3A_38 : vector<1024x64xf32>
    %swap3A = arith.constant 0 : index
    %swap3A_41 = arith.constant 0 : index
    %swap3A_42 = vector.load %arg6[%swap3A, %swap3A_41] : memref<1024x64xf32, #tpu.memory_space<vmem>>, vector<1024x64xf32>
    tpu.vector_store %arg6[%swap3A, %swap3A_41], %mul3A_40 {strides = array<i32>} : memref<1024x64xf32, #tpu.memory_space<vmem>>, vector<1024x64xf32>,
    return
  }
  func.func @transform_0(%arg0: i32) -> (i32, i32, i32) {
    %c0_i32 = arith.constant 0 : i32
    %c0_i32_0 = arith.constant 0 : i32
    %c0_i32_1 = arith.constant 0 : i32
    return %c0_i32, %arg0, %c0_i32_0 : i32, i32, i32
  }
  func.func @transform_1(%arg0: i32) -> (i32, i32) {
    %c0_i32 = arith.constant 0 : i32
    %c0_i32_0 = arith.constant 0 : i32
    return %arg0, %c0_i32 : i32, i32
  }
  func.func @transform_2(%arg0: i32) -> (i32, i32) {
    %c0_i32 = arith.constant 0 : i32
    %c0_i32_0 = arith.constant 0 : i32
    %c0_i32_1 = arith.constant 0 : i32
    return %c0_i32, %c0_i32_0 : i32, i32
  }
  func.func @transform_3(%arg0: i32) -> (i32, i32) {
    %c0_i32 = arith.constant 0 : i32
    %c0_i32_0 = arith.constant 0 : i32
    %c0_i32_1 = arith.constant 0 : i32
    return %c0_i32, %c0_i32_0 : i32, i32
  }
  func.func @transform_4(%arg0: i32) -> (i32, i32, i32) {
    %c0_i32 = arith.constant 0 : i32
    %c0_i32_0 = arith.constant 0 : i32
    %c0_i32_1 = arith.constant 0 : i32
    return %c0_i32, %arg0, %c0_i32_0 : i32, i32, i32
  }
  func.func @transform_5(%arg0: i32) -> (i32, i32) {
    %c0_i32 = arith.constant 0 : i32
    %c0_i32_0 = arith.constant 0 : i32
    return %arg0, %c0_i32 : i32, i32
  }
}

module attributes {stable_mosaic.version = 14 : i64} {
  func.func @body(%arg0: i32, %arg1: memref<2x1024x64xf32, #tpu.memory_space<vmem>>, %arg2: memref<1024x64xf32, #tpu.memory_space<vmem>>, %arg3: memref<1x64xf32, #tpu.memory_space<vmem>>, %arg4: memref<64x32xf32, #tpu.memory_space<vmem>>, %arg5: memref<2x1024x16xf32, #tpu.memory_space<vmem>>, %arg6: memref<1024x32xf32, #tpu.memory_space<vmem>>) attributes {dimension_semantics = [#tpu.dimension_semantics<arbitrary>], iteration_bounds = array<i64: 10>, scalar_prefetch = 0 : i64, scratch_operands = 0 : i64, tpu.core_type = #tpu.core_type<tc>, window_params = [{transform_indices = @transform_0, window_bounds = array<i64: 2, 1024, 64>}, {transform_indices = @transform_1, window_bounds = array<i64: 1024, 64>}, {pipeline_mode = #tpu.pipeline_mode<synchronous>, transform_indices = @transform_2, window_bounds = array<i64: 1, 64>}, {pipeline_mode = #tpu.pipeline_mode<synchronous>, transform_indices = @transform_3, window_bounds = array<i64: 64, 32>}, {transform_indices = @transform_4, window_bounds = array<i64: 2, 1024, 16>}, {transform_indices = @transform_5, window_bounds = array<i64: 1024, 32>}]} {
    %get3A = arith.constant 0 : index
    %get3A_0 = arith.constant 0 : index
    %get3A_1 = arith.constant 0 : index
    %get3A_2 = vector.load %arg5[%get3A, %get3A_0, %get3A_1] : memref<2x1024x16xf32, #tpu.memory_space<vmem>>, vector<1x1024x1xf32>
    %get3A_3 = vector.shape_cast %get3A_2 : vector<1x1024x1xf32> to vector<1024x1xf32>
    %get3A_4 = arith.constant 1 : index
    %get3A_5 = arith.constant 0 : index
    %get3A_6 = arith.constant 0 : index
    %get3A_7 = vector.load %arg5[%get3A_4, %get3A_5, %get3A_6] : memref<2x1024x16xf32, #tpu.memory_space<vmem>>, vector<1x1024x1xf32>
    %get3A_8 = vector.shape_cast %get3A_7 : vector<1x1024x1xf32> to vector<1024x1xf32>
    %add3A = arith.addf %get3A_3, %get3A_8 : vector<1024x1xf32>
    %add3A_9 = arith.constant 1.000000e+00 : f32
    %add3A_10 = vector.broadcast %add3A_9 : f32 to vector<1024x1xf32>
    %add3A_11 = arith.addf %add3A, %add3A_10 : vector<1024x1xf32>
    %rsqrt3A = math.rsqrt %add3A_11 : vector<1024x1xf32>
    %get3A_12 = arith.constant 0 : index
    %get3A_13 = arith.constant 0 : index
    %get3A_14 = arith.constant 0 : index
    %get3A_15 = vector.load %arg1[%get3A_12, %get3A_13, %get3A_14] : memref<2x1024x64xf32, #tpu.memory_space<vmem>>, vector<1x1024x64xf32>
    %get3A_16 = vector.shape_cast %get3A_15 : vector<1x1024x64xf32> to vector<1024x64xf32>
    %get3A_17 = arith.constant 1 : index
    %get3A_18 = arith.constant 0 : index
    %get3A_19 = arith.constant 0 : index
    %get3A_20 = vector.load %arg1[%get3A_17, %get3A_18, %get3A_19] : memref<2x1024x64xf32, #tpu.memory_space<vmem>>, vector<1x1024x64xf32>
    %get3A_21 = vector.shape_cast %get3A_20 : vector<1x1024x64xf32> to vector<1024x64xf32>
    %add3A_22 = arith.addf %get3A_16, %get3A_21 : vector<1024x64xf32>
    %get3A_23 = arith.constant 0 : index
    %get3A_24 = arith.constant 0 : index
    %get3A_25 = vector.load %arg2[%get3A_23, %get3A_24] : memref<1024x64xf32, #tpu.memory_space<vmem>>, vector<1024x64xf32>
    %add3A_26 = arith.addf %add3A_22, %get3A_25 : vector<1024x64xf32>
    %mul3A = vector.broadcast %rsqrt3A : vector<1024x1xf32> to vector<1024x64xf32>
    %mul3A_27 = arith.mulf %mul3A, %add3A_26 : vector<1024x64xf32>
    %get3A_28 = arith.constant 0 : index
    %get3A_29 = arith.constant 0 : index
    %get3A_30 = vector.load %arg3[%get3A_28, %get3A_29] : memref<1x64xf32, #tpu.memory_space<vmem>>, vector<1x64xf32>
    %add3A_31 = vector.broadcast %get3A_30 : vector<1x64xf32> to vector<1024x64xf32>
    %add3A_32 = arith.addf %mul3A_27, %add3A_31 : vector<1024x64xf32>
    %max3A = arith.constant 0.000000e+00 : f32
    %max3A_33 = vector.broadcast %max3A : f32 to vector<1024x64xf32>
    %max3A_34 = arith.maximumf %add3A_32, %max3A_33 : vector<1024x64xf32>
    %get3A_35 = arith.constant 0 : index
    %get3A_36 = arith.constant 0 : index
    %get3A_37 = vector.load %arg4[%get3A_35, %get3A_36] : memref<64x32xf32, #tpu.memory_space<vmem>>, vector<64x32xf32>
    %dot_general3A = arith.constant dense<0.000000e+00> : vector<1024x32xf32>
    %dot_general3A_38 = tpu.matmul %max3A_34, %get3A_37, %dot_general3A {dimension_numbers = #tpu.dot_dimension_numbers<[1], [0], [0], [1], [0, 0, 1, 1], [], []>, transpose_lhs_hint = false} : vector<1024x64xf32>, vector<64x32xf32>, vector<1024x32xf32> -> vector<1024x32xf32>
    %mul3A_39 = vector.broadcast %rsqrt3A : vector<1024x1xf32> to vector<1024x32xf32>
    %mul3A_40 = arith.mulf %mul3A_39, %dot_general3A_38 : vector<1024x32xf32>
    %swap3A = arith.constant 0 : index
    %swap3A_41 = arith.constant 0 : index
    %swap3A_42 = vector.load %arg6[%swap3A, %swap3A_41] : memref<1024x32xf32, #tpu.memory_space<vmem>>, vector<1024x32xf32>
    tpu.vector_store %arg6[%swap3A, %swap3A_41], %mul3A_40 {strides = array<i32>} : memref<1024x32xf32, #tpu.memory_space<vmem>>, vector<1024x32xf32>,
    return
  }
  func.func @transform_0(%arg0: i32) -> (i32, i32, i32) {
    %c0_i32 = arith.constant 0 : i32
    %c0_i32_0 = arith.constant 0 : i32
    %c0_i32_1 = arith.constant 0 : i32
    return %c0_i32, %arg0, %c0_i32_0 : i32, i32, i32
  }
  func.func @transform_1(%arg0: i32) -> (i32, i32) {
    %c0_i32 = arith.constant 0 : i32
    %c0_i32_0 = arith.constant 0 : i32
    return %arg0, %c0_i32 : i32, i32
  }
  func.func @transform_2(%arg0: i32) -> (i32, i32) {
    %c0_i32 = arith.constant 0 : i32
    %c0_i32_0 = arith.constant 0 : i32
    %c0_i32_1 = arith.constant 0 : i32
    return %c0_i32, %c0_i32_0 : i32, i32
  }
  func.func @transform_3(%arg0: i32) -> (i32, i32) {
    %c0_i32 = arith.constant 0 : i32
    %c0_i32_0 = arith.constant 0 : i32
    %c0_i32_1 = arith.constant 0 : i32
    return %c0_i32, %c0_i32_0 : i32, i32
  }
  func.func @transform_4(%arg0: i32) -> (i32, i32, i32) {
    %c0_i32 = arith.constant 0 : i32
    %c0_i32_0 = arith.constant 0 : i32
    %c0_i32_1 = arith.constant 0 : i32
    return %c0_i32, %arg0, %c0_i32_0 : i32, i32, i32
  }
  func.func @transform_5(%arg0: i32) -> (i32, i32) {
    %c0_i32 = arith.constant 0 : i32
    %c0_i32_0 = arith.constant 0 : i32
    return %arg0, %c0_i32 : i32, i32
  }
}

module attributes {stable_mosaic.version = 14 : i64} {
  func.func @body(%arg0: i32, %arg1: memref<2x1024x32xf32, #tpu.memory_space<vmem>>, %arg2: memref<1024x32xf32, #tpu.memory_space<vmem>>, %arg3: memref<1x32xf32, #tpu.memory_space<vmem>>, %arg4: memref<32x16xf32, #tpu.memory_space<vmem>>, %arg5: memref<2x1024x16xf32, #tpu.memory_space<vmem>>, %arg6: memref<1024x16xf32, #tpu.memory_space<vmem>>) attributes {dimension_semantics = [#tpu.dimension_semantics<arbitrary>], iteration_bounds = array<i64: 10>, scalar_prefetch = 0 : i64, scratch_operands = 0 : i64, tpu.core_type = #tpu.core_type<tc>, window_params = [{transform_indices = @transform_0, window_bounds = array<i64: 2, 1024, 32>}, {transform_indices = @transform_1, window_bounds = array<i64: 1024, 32>}, {pipeline_mode = #tpu.pipeline_mode<synchronous>, transform_indices = @transform_2, window_bounds = array<i64: 1, 32>}, {pipeline_mode = #tpu.pipeline_mode<synchronous>, transform_indices = @transform_3, window_bounds = array<i64: 32, 16>}, {transform_indices = @transform_4, window_bounds = array<i64: 2, 1024, 16>}, {transform_indices = @transform_5, window_bounds = array<i64: 1024, 16>}]} {
    %get3A = arith.constant 0 : index
    %get3A_0 = arith.constant 0 : index
    %get3A_1 = arith.constant 0 : index
    %get3A_2 = vector.load %arg5[%get3A, %get3A_0, %get3A_1] : memref<2x1024x16xf32, #tpu.memory_space<vmem>>, vector<1x1024x1xf32>
    %get3A_3 = vector.shape_cast %get3A_2 : vector<1x1024x1xf32> to vector<1024x1xf32>
    %get3A_4 = arith.constant 1 : index
    %get3A_5 = arith.constant 0 : index
    %get3A_6 = arith.constant 0 : index
    %get3A_7 = vector.load %arg5[%get3A_4, %get3A_5, %get3A_6] : memref<2x1024x16xf32, #tpu.memory_space<vmem>>, vector<1x1024x1xf32>
    %get3A_8 = vector.shape_cast %get3A_7 : vector<1x1024x1xf32> to vector<1024x1xf32>
    %add3A = arith.addf %get3A_3, %get3A_8 : vector<1024x1xf32>
    %add3A_9 = arith.constant 1.000000e+00 : f32
    %add3A_10 = vector.broadcast %add3A_9 : f32 to vector<1024x1xf32>
    %add3A_11 = arith.addf %add3A, %add3A_10 : vector<1024x1xf32>
    %rsqrt3A = math.rsqrt %add3A_11 : vector<1024x1xf32>
    %get3A_12 = arith.constant 0 : index
    %get3A_13 = arith.constant 0 : index
    %get3A_14 = arith.constant 0 : index
    %get3A_15 = vector.load %arg1[%get3A_12, %get3A_13, %get3A_14] : memref<2x1024x32xf32, #tpu.memory_space<vmem>>, vector<1x1024x32xf32>
    %get3A_16 = vector.shape_cast %get3A_15 : vector<1x1024x32xf32> to vector<1024x32xf32>
    %get3A_17 = arith.constant 1 : index
    %get3A_18 = arith.constant 0 : index
    %get3A_19 = arith.constant 0 : index
    %get3A_20 = vector.load %arg1[%get3A_17, %get3A_18, %get3A_19] : memref<2x1024x32xf32, #tpu.memory_space<vmem>>, vector<1x1024x32xf32>
    %get3A_21 = vector.shape_cast %get3A_20 : vector<1x1024x32xf32> to vector<1024x32xf32>
    %add3A_22 = arith.addf %get3A_16, %get3A_21 : vector<1024x32xf32>
    %get3A_23 = arith.constant 0 : index
    %get3A_24 = arith.constant 0 : index
    %get3A_25 = vector.load %arg2[%get3A_23, %get3A_24] : memref<1024x32xf32, #tpu.memory_space<vmem>>, vector<1024x32xf32>
    %add3A_26 = arith.addf %add3A_22, %get3A_25 : vector<1024x32xf32>
    %mul3A = vector.broadcast %rsqrt3A : vector<1024x1xf32> to vector<1024x32xf32>
    %mul3A_27 = arith.mulf %mul3A, %add3A_26 : vector<1024x32xf32>
    %get3A_28 = arith.constant 0 : index
    %get3A_29 = arith.constant 0 : index
    %get3A_30 = vector.load %arg3[%get3A_28, %get3A_29] : memref<1x32xf32, #tpu.memory_space<vmem>>, vector<1x32xf32>
    %add3A_31 = vector.broadcast %get3A_30 : vector<1x32xf32> to vector<1024x32xf32>
    %add3A_32 = arith.addf %mul3A_27, %add3A_31 : vector<1024x32xf32>
    %max3A = arith.constant 0.000000e+00 : f32
    %max3A_33 = vector.broadcast %max3A : f32 to vector<1024x32xf32>
    %max3A_34 = arith.maximumf %add3A_32, %max3A_33 : vector<1024x32xf32>
    %get3A_35 = arith.constant 0 : index
    %get3A_36 = arith.constant 0 : index
    %get3A_37 = vector.load %arg4[%get3A_35, %get3A_36] : memref<32x16xf32, #tpu.memory_space<vmem>>, vector<32x16xf32>
    %dot_general3A = arith.constant dense<0.000000e+00> : vector<1024x16xf32>
    %dot_general3A_38 = tpu.matmul %max3A_34, %get3A_37, %dot_general3A {dimension_numbers = #tpu.dot_dimension_numbers<[1], [0], [0], [1], [0, 0, 1, 1], [], []>, transpose_lhs_hint = false} : vector<1024x32xf32>, vector<32x16xf32>, vector<1024x16xf32> -> vector<1024x16xf32>
    %mul3A_39 = vector.broadcast %rsqrt3A : vector<1024x1xf32> to vector<1024x16xf32>
    %mul3A_40 = arith.mulf %mul3A_39, %dot_general3A_38 : vector<1024x16xf32>
    %swap3A = arith.constant 0 : index
    %swap3A_41 = arith.constant 0 : index
    %swap3A_42 = vector.load %arg6[%swap3A, %swap3A_41] : memref<1024x16xf32, #tpu.memory_space<vmem>>, vector<1024x16xf32>
    tpu.vector_store %arg6[%swap3A, %swap3A_41], %mul3A_40 {strides = array<i32>} : memref<1024x16xf32, #tpu.memory_space<vmem>>, vector<1024x16xf32>,
    return
  }
  func.func @transform_0(%arg0: i32) -> (i32, i32, i32) {
    %c0_i32 = arith.constant 0 : i32
    %c0_i32_0 = arith.constant 0 : i32
    %c0_i32_1 = arith.constant 0 : i32
    return %c0_i32, %arg0, %c0_i32_0 : i32, i32, i32
  }
  func.func @transform_1(%arg0: i32) -> (i32, i32) {
    %c0_i32 = arith.constant 0 : i32
    %c0_i32_0 = arith.constant 0 : i32
    return %arg0, %c0_i32 : i32, i32
  }
  func.func @transform_2(%arg0: i32) -> (i32, i32) {
    %c0_i32 = arith.constant 0 : i32
    %c0_i32_0 = arith.constant 0 : i32
    %c0_i32_1 = arith.constant 0 : i32
    return %c0_i32, %c0_i32_0 : i32, i32
  }
  func.func @transform_3(%arg0: i32) -> (i32, i32) {
    %c0_i32 = arith.constant 0 : i32
    %c0_i32_0 = arith.constant 0 : i32
    %c0_i32_1 = arith.constant 0 : i32
    return %c0_i32, %c0_i32_0 : i32, i32
  }
  func.func @transform_4(%arg0: i32) -> (i32, i32, i32) {
    %c0_i32 = arith.constant 0 : i32
    %c0_i32_0 = arith.constant 0 : i32
    %c0_i32_1 = arith.constant 0 : i32
    return %c0_i32, %arg0, %c0_i32_0 : i32, i32, i32
  }
  func.func @transform_5(%arg0: i32) -> (i32, i32) {
    %c0_i32 = arith.constant 0 : i32
    %c0_i32_0 = arith.constant 0 : i32
    return %arg0, %c0_i32 : i32, i32
  }
}

module attributes {stable_mosaic.version = 14 : i64} {
  func.func @body(%arg0: i32, %arg1: memref<2x1024x16xf32, #tpu.memory_space<vmem>>, %arg2: memref<1024x16xf32, #tpu.memory_space<vmem>>, %arg3: memref<1x16xf32, #tpu.memory_space<vmem>>, %arg4: memref<2x1024x16xf32, #tpu.memory_space<vmem>>, %arg5: memref<1024x16xf32, #tpu.memory_space<vmem>>) attributes {dimension_semantics = [#tpu.dimension_semantics<arbitrary>], iteration_bounds = array<i64: 10>, scalar_prefetch = 0 : i64, scratch_operands = 0 : i64, tpu.core_type = #tpu.core_type<tc>, window_params = [{transform_indices = @transform_0, window_bounds = array<i64: 2, 1024, 16>}, {transform_indices = @transform_1, window_bounds = array<i64: 1024, 16>}, {pipeline_mode = #tpu.pipeline_mode<synchronous>, transform_indices = @transform_2, window_bounds = array<i64: 1, 16>}, {transform_indices = @transform_3, window_bounds = array<i64: 2, 1024, 16>}, {transform_indices = @transform_4, window_bounds = array<i64: 1024, 16>}]} {
    %get3A = arith.constant 0 : index
    %get3A_0 = arith.constant 0 : index
    %get3A_1 = arith.constant 0 : index
    %get3A_2 = vector.load %arg4[%get3A, %get3A_0, %get3A_1] : memref<2x1024x16xf32, #tpu.memory_space<vmem>>, vector<1x1024x1xf32>
    %get3A_3 = vector.shape_cast %get3A_2 : vector<1x1024x1xf32> to vector<1024x1xf32>
    %get3A_4 = arith.constant 1 : index
    %get3A_5 = arith.constant 0 : index
    %get3A_6 = arith.constant 0 : index
    %get3A_7 = vector.load %arg4[%get3A_4, %get3A_5, %get3A_6] : memref<2x1024x16xf32, #tpu.memory_space<vmem>>, vector<1x1024x1xf32>
    %get3A_8 = vector.shape_cast %get3A_7 : vector<1x1024x1xf32> to vector<1024x1xf32>
    %add3A = arith.addf %get3A_3, %get3A_8 : vector<1024x1xf32>
    %add3A_9 = arith.constant 1.000000e+00 : f32
    %add3A_10 = vector.broadcast %add3A_9 : f32 to vector<1024x1xf32>
    %add3A_11 = arith.addf %add3A, %add3A_10 : vector<1024x1xf32>
    %rsqrt3A = math.rsqrt %add3A_11 : vector<1024x1xf32>
    %get3A_12 = arith.constant 0 : index
    %get3A_13 = arith.constant 0 : index
    %get3A_14 = arith.constant 0 : index
    %get3A_15 = vector.load %arg1[%get3A_12, %get3A_13, %get3A_14] : memref<2x1024x16xf32, #tpu.memory_space<vmem>>, vector<1x1024x16xf32>
    %get3A_16 = vector.shape_cast %get3A_15 : vector<1x1024x16xf32> to vector<1024x16xf32>
    %get3A_17 = arith.constant 1 : index
    %get3A_18 = arith.constant 0 : index
    %get3A_19 = arith.constant 0 : index
    %get3A_20 = vector.load %arg1[%get3A_17, %get3A_18, %get3A_19] : memref<2x1024x16xf32, #tpu.memory_space<vmem>>, vector<1x1024x16xf32>
    %get3A_21 = vector.shape_cast %get3A_20 : vector<1x1024x16xf32> to vector<1024x16xf32>
    %add3A_22 = arith.addf %get3A_16, %get3A_21 : vector<1024x16xf32>
    %get3A_23 = arith.constant 0 : index
    %get3A_24 = arith.constant 0 : index
    %get3A_25 = vector.load %arg2[%get3A_23, %get3A_24] : memref<1024x16xf32, #tpu.memory_space<vmem>>, vector<1024x16xf32>
    %add3A_26 = arith.addf %add3A_22, %get3A_25 : vector<1024x16xf32>
    %mul3A = vector.broadcast %rsqrt3A : vector<1024x1xf32> to vector<1024x16xf32>
    %mul3A_27 = arith.mulf %mul3A, %add3A_26 : vector<1024x16xf32>
    %get3A_28 = arith.constant 0 : index
    %get3A_29 = arith.constant 0 : index
    %get3A_30 = vector.load %arg3[%get3A_28, %get3A_29] : memref<1x16xf32, #tpu.memory_space<vmem>>, vector<1x16xf32>
    %add3A_31 = vector.broadcast %get3A_30 : vector<1x16xf32> to vector<1024x16xf32>
    %add3A_32 = arith.addf %mul3A_27, %add3A_31 : vector<1024x16xf32>
    %max3A = arith.constant 0.000000e+00 : f32
    %max3A_33 = vector.broadcast %max3A : f32 to vector<1024x16xf32>
    %max3A_34 = arith.maximumf %add3A_32, %max3A_33 : vector<1024x16xf32>
    %swap3A = arith.constant 0 : index
    %swap3A_35 = arith.constant 0 : index
    %swap3A_36 = vector.load %arg5[%swap3A, %swap3A_35] : memref<1024x16xf32, #tpu.memory_space<vmem>>, vector<1024x16xf32>
    tpu.vector_store %arg5[%swap3A, %swap3A_35], %max3A_34 {strides = array<i32>} : memref<1024x16xf32, #tpu.memory_space<vmem>>, vector<1024x16xf32>,
    return
  }
  func.func @transform_0(%arg0: i32) -> (i32, i32, i32) {
    %c0_i32 = arith.constant 0 : i32
    %c0_i32_0 = arith.constant 0 : i32
    %c0_i32_1 = arith.constant 0 : i32
    return %c0_i32, %arg0, %c0_i32_0 : i32, i32, i32
  }
  func.func @transform_1(%arg0: i32) -> (i32, i32) {
    %c0_i32 = arith.constant 0 : i32
    %c0_i32_0 = arith.constant 0 : i32
    return %arg0, %c0_i32 : i32, i32
  }
  func.func @transform_2(%arg0: i32) -> (i32, i32) {
    %c0_i32 = arith.constant 0 : i32
    %c0_i32_0 = arith.constant 0 : i32
    %c0_i32_1 = arith.constant 0 : i32
    return %c0_i32, %c0_i32_0 : i32, i32
  }
  func.func @transform_3(%arg0: i32) -> (i32, i32, i32) {
    %c0_i32 = arith.constant 0 : i32
    %c0_i32_0 = arith.constant 0 : i32
    %c0_i32_1 = arith.constant 0 : i32
    return %c0_i32, %arg0, %c0_i32_0 : i32, i32, i32
  }
  func.func @transform_4(%arg0: i32) -> (i32, i32) {
    %c0_i32 = arith.constant 0 : i32
    %c0_i32_0 = arith.constant 0 : i32
    return %arg0, %c0_i32 : i32, i32
  }
}

</mosaic_0001>

<sc_bundles>
// kernel: kernel.12.cloned.1.call-start
scs
__scs_entry_jumppad:
0x0: {  	(pc) =	sbr.rel $0x88, $3  }
0x1: {  	(tag) =	ssettag $0x0;
	lr =	simm.s32 $0x1  }
0x2: {  	[smem:$0x3F97] =	sst lr;
	_ =	strace $0xD0000000  }
0x3: {  	_ = 	snop  }
0x4: {  	_ = 	snop  }
0x5: {  	_ = 	snop  }
0x6: {  	_ = 	snop  }
0x7: {  	_ = 	snop  }
__scs_overlays_trampoline_lowered:
0x8: {  	[smem:$0x3FA6] =	sst s0  }
0x9: {  	[smem:$0x3FA7] =	sst s1  }
0xa: {  	[smem:$0x3FA8] =	sst s2  }
0xb: {  	[smem:$0x3FA9] =	sst s3  }
0xc: {  	[smem:$0x3FAA] =	sst s4  }
0xd: {  	[smem:$0x3FAB] =	sst s5  }
0xe: {  	[smem:$0x3FAC] =	sst s6  }
0xf: {  	[smem:$0x3FAD] =	sst s7  }
0x10: {  	[smem:$0x3FAE] =	sst s8  }
0x11: {  	[smem:$0x3FAF] =	sst s9;
	s0 =	simm.s32 @!p0 $0x0  }
0x12: {  	s1 =	sld [smem:$0x3F95];
	s0 =	simm.s32 @p0 $0x1  }
0x13: {  	[smem:$0x3FB0] =	sst s0;
	s0 =	simm.s32 @!p1 $0x0  }
0x14: {  	s2 =	sld [smem:$0x3F94];
	s0 =	simm.s32 @p1 $0x1  }
0x15: {  	[smem:$0x3FB1] =	sst s0;
	s0 =	simm.s32 @!p2 $0x0  }
0x16: {  	s3 =	sld [smem:$0x3FDB];
	s0 =	simm.s32 @p2 $0x1  }
0x17: {  	s4 =	simm.s32 $0x1BF5;
	[smem:$0x3FB3] =	sst s0  }
0x18: {  	s0 =	sld [smem:$0x3F96];
	_ =	swait.ge [sflag:s4], $0x0  }
0x19: {  	s7 =	sld [smem:$0x3F97]  }
0x1a: {  	s8 =	sadd.s32 $0xFFFFE003, lr  }
0x1b: {  	s9 =	sadd.s32 $0xFFFFFEF7, lr;
	s5 =	simm.s32 $0xFFFFFFFF;
	p2 =	slt.u32 s8, $0xFFFFF086  }
0x1c: {  	p1 =	slt.u32 s9, $0xF7A;
	s5 =	simm.s32 @!p2 $0x0  }
0x1d: {  	s5 =	simm.s32 @p1 $0x1;
	p0 =	seq.s32 s7, s2  }
0x1e: {  	s7 =	smul.u32 @!p0 $0xF7A, s2;
	p2 =	seq.s32 @!p0 s5, $0x0  }
0x1f: {  	s9 =	smul.u32 $0xF7A, s1;
	s8 =	simm.s32 @!p0 $0x1BF5;
	p2 =	por !p2, p0  }
0x20: {  	[sflag:s8] =	ssyncset.s32 @!p0 $0xFFFFF086;
	s6 =	sadd.s32 @!p0 s3, s7;
	s7 =	simm.s32 @!p0 $0x108  }
0x21: {  	s3 =	sadd.s32 s3, s9;
	s6 =	sadd.s32 @!p0 $0x88, s6;
	s7 =	simm.s32 @p2 $0x1082  }
0x22: {  	[simem:s7], [sflag:s8] =	dma.local @!p0 [hbm:s6], $0xF7A  }
0x23: {  	s9 =	sor.u32 $0xD0000000, s2;
	s6 =	simm.s32 $0x108;
	_ =	swait.ge @!p0 [sflag:s8], $0x0  }
0x24: {  	s3 =	sadd.s32 $0x88, s3;
	s6 =	simm.s32 @!p1 $0x1082;
	[sflag:s4] =	ssyncset.s32 $0xFFFFF086  }
0x25: {  	[simem:s6], [sflag:s4] =	dma.local [hbm:s3], $0xF7A  }
0x26: {  	[smem:$0x3F97] =	sst s1;
	(tag) =	ssettag s2;
	_ =	strace s9  }
0x27: {  	s1 =	sld [smem:$0x3FA7]  }
0x28: {  	s2 =	sld [smem:$0x3FA8]  }
0x29: {  	s4 =	sld [smem:$0x3FAA]  }
0x2a: {  	p0 =	seq.s32 s5, $0x0;
	s5 =	sld [smem:$0x3FAB]  }
0x2b: {  	s6 =	sld [smem:$0x3FAC]  }
0x2c: {  	s7 =	sld [smem:$0x3FAD]  }
0x2d: {  	s3 =	simm.s32 $0x108;
	s8 =	sld [smem:$0x3FAE]  }
0x2e: {  	s3 =	simm.s32 @!p0 $0x1082;
	s9 =	sld [smem:$0x3FAF]  }
0x2f: {  	lr =	sadd.s32 s0, s3;
	s0 =	sld [smem:$0x3FA6]  }
0x30: {  	s3 =	sld [smem:$0x3FA9]  }
0x31: {  	[smem:$0x3FB2] =	sst s10  }
0x32: {  	s10 =	sld [smem:$0x3FB0];
	_ =	sdelay $0x3  }
0x33: {  	p0 =	seq.s32 s10, $0x1;
	s10 =	sld [smem:$0x3FB2];
	_ =	sdelay $0x3  }
0x34: {  	[smem:$0x3FB2] =	sst s10  }
0x35: {  	s10 =	sld [smem:$0x3FB1];
	_ =	sdelay $0x3  }
0x36: {  	p1 =	seq.s32 s10, $0x1;
	s10 =	sld [smem:$0x3FB2];
	_ =	sdelay $0x3  }
0x37: {  	[smem:$0x3FB2] =	sst s10  }
0x38: {  	s10 =	sld [smem:$0x3FB3]  }
0x39: {  	_ = 	snop;
	(pc) =	sbr.ind lr, $3  }
0x3a: {  	_ = 	snop  }
0x3b: {  	_ = 	snop  }
0x3c: {  	p2 =	seq.s32 s10, $0x1;
	s10 =	sld [smem:$0x3FB2]  }
0x3d: {  	_ =	shalt  }
0x3e: {  	_ =	shalt  }
0x3f: {  	_ =	shalt  }
0x40: {  	_ =	shalt  }
0x41: {  	_ =	shalt  }
0x42: {  	_ =	shalt  }
0x43: {  	_ =	shalt  }
0x44: {  	_ =	shalt  }
0x45: {  	_ =	shalt  }
0x46: {  	_ =	shalt  }
0x47: {  	_ =	shalt  }
0x48: {  	_ =	shalt  }
0x49: {  	_ =	shalt  }
0x4a: {  	_ =	shalt  }
0x4b: {  	_ =	shalt  }
0x4c: {  	_ =	shalt  }
0x4d: {  	_ =	shalt  }
0x4e: {  	_ =	shalt  }
0x4f: {  	_ =	shalt  }
0x50: {  	_ =	shalt  }
0x51: {  	_ =	shalt  }
0x52: {  	_ =	shalt  }
0x53: {  	_ =	shalt  }
0x54: {  	_ =	shalt  }
0x55: {  	_ =	shalt  }
0x56: {  	_ =	shalt  }
0x57: {  	_ =	shalt  }
0x58: {  	_ =	shalt  }
0x59: {  	_ =	shalt  }
0x5a: {  	_ =	shalt  }
0x5b: {  	_ =	shalt  }
0x5c: {  	_ =	shalt  }
0x5d: {  	_ =	shalt  }
0x5e: {  	_ =	shalt  }
0x5f: {  	_ =	shalt  }
0x60: {  	_ =	shalt  }
0x61: {  	_ =	shalt  }
0x62: {  	_ =	shalt  }
0x63: {  	_ =	shalt  }
0x64: {  	_ =	shalt  }
0x65: {  	_ =	shalt  }
0x66: {  	_ =	shalt  }
0x67: {  	_ =	shalt  }
0x68: {  	_ =	shalt  }
0x69: {  	_ =	shalt  }
0x6a: {  	_ =	shalt  }
0x6b: {  	_ =	shalt  }
0x6c: {  	_ =	shalt  }
0x6d: {  	_ =	shalt  }
0x6e: {  	_ =	shalt  }
0x6f: {  	_ =	shalt  }
0x70: {  	_ =	shalt  }
0x71: {  	_ =	shalt  }
0x72: {  	_ =	shalt  }
0x73: {  	_ =	shalt  }
0x74: {  	_ =	shalt  }
0x75: {  	_ =	shalt  }
0x76: {  	_ =	shalt  }
0x77: {  	_ =	shalt  }
0x78: {  	_ =	shalt  }
0x79: {  	_ =	shalt  }
0x7a: {  	_ =	shalt  }
0x7b: {  	_ =	shalt  }
0x7c: {  	_ =	shalt  }
0x7d: {  	_ =	shalt  }
0x7e: {  	_ =	shalt  }
0x7f: {  	_ =	shalt  }
0x80: {  	_ =	shalt  }
0x81: {  	_ =	shalt  }
0x82: {  	_ =	shalt  }
0x83: {  	_ =	shalt  }
0x84: {  	_ =	shalt  }
0x85: {  	_ =	shalt  }
0x86: {  	_ =	shalt  }
0x87: {  	_ =	shalt  }
.Lfunc_end0:
.L_simem_size_0:
called_computation_lowered:
.L_overlay_start_0:
0x88: {  	s2 =	sld [smem:$0x3FD9]  }
0x89: {  	s3 =	sld [smem:$0x3FFE];
	_ =	sdelay $0x1  }
0x8a: {  	s1 =	srdreg.scid  }
0x8b: {  	s0 =	sand.u32 $0x1, s1  }
0x8c: {  	s17 =	sshll.u32 s0, $0xA;
	s2 =	sadd.s32 s3, s2  }
0x8d: {  	s2 =	sadd.s32 s2, s17  }
0x8e: {  	[smem:$0x3FBE] =	sst s2  }
0x8f: {  	_ = 	snop  }
0x90: {  	s2 =	sld [smem:$0x3FD0];
	(tm) =	ssettm $0x1  }
0x91: {  	s18 =	sld [smem:$0x3FFB];
	_ =	sdelay $0x3  }
0x92: {  	_ =	strace s18  }
0x93: {  	s3 =	sld [smem:$0x3FFC];
	_ =	sdelay $0x3  }
0x94: {  	_ =	strace s3  }
0x95: {  	s3 =	sld [smem:$0x3FFD];
	_ =	sdelay $0x3  }
0x96: {  	_ =	strace s3  }
0x97: {  	_ =	strace $0x8FFFFFFF  }
0x98: {  	s19 =	sld [smem:$0x3FDB];
	_ =	sdelay $0x1  }
0x99: {  	s4 =	simm.s32 $_scs_section_size  }
0x9a: {  	s5 =	simm.s32 $_size__tile_overlayer_lowered;
	s6 =	simm.s32 $_tile_overlayer_lowered  }
0x9b: {  	s22 =	simm.s32 $0x1BFF;
	s21 =	sshll.u32 s6, $0x1;
	s3 =	sadd.s32 s4, s19  }
0x9c: {  	s7 =	simm.s32 $0x0;
	s20 =	sshll.u32 s5, $0x1;
	s5 =	sadd.s32 s21, s3  }
0x9d: {  	[timem:s7], [sflag:s22] =	dma.local [hbm:s5], s20  }
0x9e: {  	_ =	swait.ge [sflag:s22], s20  }
0x9f: {  	s4 =	ssub.s32 $0x0, s20;
	[sflag:s22] =	ssyncset.done $0x0  }
0xa0: {  	[sflag:s22] =	ssyncadd.s32 s4;
	_ =	sdelay $0x1  }
0xa1: {  	s23 =	simm.s32 $0x1B8B  }
0xa2: {  	_ =	swait.ge [sflag:s23], $0x1  }
0xa3: {  	[sflag:s23] =	ssyncset.done $0x0  }
0xa4: {  	s25 =	simm.s32 $0x1B8E;
	s24 =	sld [smem:$0x3FFE];
	[sflag:s23] =	ssyncadd.s32 $0xFFFFFFFF  }
0xa5: {  	s26 =	simm.s32 $execute0_lowered;
	[smem:$0x3FD2] =	sst s25  }
0xa6: {  	s5 =	sshll.u32 s26, $0x1;
	_ =	strace $0x80000046;
	[dreg:$0x1] =	wrdreg $0xFFFFFFFF  }
0xa7: {  	s28 =	simm.s32 $_size_execute0_lowered;
	s3 =	sadd.s32 s3, s5;
	[dreg:$0x0] =	wrdreg $0x0  }
0xa8: {  	s5 =	sshll.u32 s28, $0x1;
	[dreg:$0x2] =	wrdreg s3  }
0xa9: {  	[dreg:$0x3] =	wrdreg s5  }
0xaa: {  	[dreg:$0x4] =	wrdreg $0xC0  }
0xab: {  	_ =	task [dreg:s7], $0x5FFFF  }
0xac: {  	[dreg:$0x1] =	wrdreg $0xFFFFFFFF  }
0xad: {  	[dreg:$0x0] =	wrdreg $0x60  }
0xae: {  	[dreg:$0x2] =	wrdreg s2  }
0xaf: {  	[dreg:$0x3] =	wrdreg s24  }
0xb0: {  	[dreg:$0x4] =	wrdreg $0x2F800  }
0xb1: {  	[dreg:$0x5] =	wrdreg $0x9  }
0xb2: {  	_ =	task.clear_ibuf [dreg:s7], $0x6FFFF;
	_ =	strace $0x90000046  }
0xb3: {  	s29 =	simm.s32 $0x9;
	_ =	strace $0x80000048  }
0xb4: {  	_ =	swait.ge [sflag:s29], $0x1  }
0xb5: {  	[sflag:s29] =	ssyncadd.s32 $0xFFFFFFFF  }
0xb6: {  	_ =	strace $0x90000048  }
0xb7: {  	_ =	sfence  }
0xb8: {  	s30 =	sld [smem:$0x0];
	_ =	sdelay $0x2  }
0xb9: {  	s31 =	sshll.u32 s1, $0xD;
	s1 =	sshrl.u32 s1, $0x2  }
0xba: {  	s3 =	sand.u32 $0x4000, s31;
	s1 =	sadd.s32 s1, s30  }
0xbb: {  	s0 =	sor.u32 s3, s0;
	s1 =	sshll.u32 s1, $0x11  }
0xbc: {  	s0 =	sor.u32 s1, s0  }
0xbd: {  	s0 =	sadd.s32 $0x8F2B, s0  }
0xbe: {  	[sflag:s0] =	ssyncadd.remote.s32 $0x1  }
0xbf: {  	_ =	sfence.sel $0xFFFF  }
0xc0: {  	[dreg:$0x0] =	wrdreg $0xFFFFFFFF;
	(pc) =	sbr.abs _section_cstart, $3  }
0xc1: {  	[dreg:$0x1] =	wrdreg $0xFFFFFFFF  }
0xc2: {  	_ =	task.clear_ibuf [dreg:s7], $0x2FFFF;
	_ =	strace $0x9FFFFFFF  }
0xc3: {  	(tm) =	ssettm $0x7FFFFFFF  }
tec
execute0_lowered:
.L_overlay_start_1:
0x0: {  	(tag) =	ssettag $0x1  }
0x1: {  	s1 =	rddreg [dreg:$0x0]  }
0x2: {  	s2 =	srdreg.scid;
	s6 =	rddreg [dreg:$0x1]  }
0x3: {  	s0 =	stileid.u32;
	s3 =	rddreg [dreg:$0x2];
	s4 =	simm.s32 $0x0  }
0x4: {  	s13 =	simm.s32 $0x80;
	s14 =	simm.s32 $0x0;
	s5 =	sand.u32 $0x1, s2  }
0x5: {  	s30 =	sshll.u32 s0, $0x1;
	s8 =	smul.u32 $0x2800, s0;
	[smem:$0x7FF] =	sst s4  }
0x6: {  	s31 =	sshll.u32 s0, $0x6;
	s2 =	sor.u32 s5, s30;
	s9 =	smul.u32 $0x28000, s5  }
0x7: {  	s5 =	ssub.s32 $0x2, s5;
	s7 =	smul.u32 $0x4F0, s2;
	s2 =	rddreg [dreg:$0x3]  }
0x8: {  	_ =	strace $0x80000047;
	s10 =	sshrl.u32 s8, $0x3;
	s11 =	sshrl.u32 s5, $0x1  }
0x9: {  	s12 =	sadd.s32 s8, s3;
	s9 =	sadd.s32 s8, s9;
	s10 =	sadd.s32 s10, s6  }
0xa: {  	s11 =	ssub.s32 s5, s11;
	s12 =	sshrl.u32 s12, $0x3;
	s7 =	sadd.s32 s7, s6  }
0xb: {  	s9 =	sshrl.u32 s9, $0x3;
	s8 =	smax.u32 s11, $0x1;
	s11 =	sor.u32 $0x1C01, s31  }
0xc: {  	s9 =	sadd.s32 s9, s6;
	s5 =	sadd.s32 $0x3200, s7;
	s6 =	sadd.s32 $0xD000, s10  }
0xd: {  	s10 =	simm.s32 $0x2780;
	s7 =	sadd.s32 $0x12000, s9;
	s9 =	simm.s32 $0x1  }
.LBB2_1:
0xe: {  	[tilespmem:s4], [sflag:$0x1] =	stream.linear.gather [hbm4b:s5+s4], $0x2780, $0x38;
	[tilespmem:$0x5780] =	vst v63  }
0xf: {  	_ =	swait.ge [sflag:s9], $0x2780  }
0x10: {  	[sflag:s9] =	ssyncset.done $0x0  }
0x11: {  	[sflag:s9] =	ssyncadd.s32 $0xFFFFD880  }
0x12: {  	[tilespmem:s10], [sflag:$0x1] =	stream.linear.gather [hbm4b:s1+s4], $0x800, $0x38;
	[tilespmem:$0x5780] =	vst v63  }
0x13: {  	_ =	swait.ge [sflag:s9], $0x800  }
0x14: {  	[sflag:s9] =	ssyncset.done $0x0  }
0x15: {  	[sflag:s9] =	ssyncadd.s32 $0xFFFFF800  }
0x16: {  	[spmem:s12], [sflag:s11] =	dma.local [hbm:s6], $0x500  }
0x17: {  	_ =	swait.ge [sflag:s9], $0x500  }
0x18: {  	[sflag:s9] =	ssyncset.done $0x0  }
0x19: {  	[sflag:s9] =	ssyncadd.s32 $0xFFFFFB00  }
0x1a: {  	s15 =	simm.s32 $0x0;
	[bflag:$0x0] =	sbarrier.arrive $0xFFFF  }
0x1b: {  	[spmem:s3] =	stream.indirect.scatter.add.f32 [tilespmem:s10], [sflag:$0x1], $0x10, s15, s13, $0xb8;
	[tilespmem:$0x5780] =	vst v63  }
0x1c: {  	_ =	swait.ge [sflag:s9], $0x800  }
0x1d: {  	s15 =	simm.s32 $0x200;
	[sflag:s9] =	ssyncset.done $0x0  }
.LBB2_2:
0x1e: {  	s16 =	sshra.s32 s15, $0x2;
	[sflag:s9] =	ssyncadd.s32 $0xFFFFF800;
	p0 =	sne.s32 s15, $0x9C00  }
0x1f: {  	[spmem:s3] =	stream.indirect.scatter.add.f32 [tilespmem:s10], [sflag:$0x1], $0x10, s16, s13, $0xb8;
	[tilespmem:$0x5780] =	vst v63  }
.Ltmp0:
0x20: {  	_ = 	snop;
	(pc) =	sbr.rel @p0 .LBB2_2-.Ltmp0, $4  }
0x21: {  	_ = 	snop  }
0x22: {  	s15 =	sadd.s32 $0x200, s15  }
0x23: {  	_ =	swait.ge [sflag:s9], $0x800  }
0x24: {  	[sflag:s9] =	ssyncset.done $0x0  }
0x25: {  	s14 =	sadd.s32 $0x1, s14  }
0x26: {  	[sflag:s9] =	ssyncadd.s32 $0xFFFFF800;
	p0 =	sne.s32 s14, s8  }
.Ltmp1:
0x27: {  	[bflag:$0x0] =	sbarrier.arrive $0xFFFF;
	(pc) =	sbr.rel @p0 .LBB2_1-.Ltmp1, $4  }
0x28: {  	[hbm:s7], [sflag:s11] =	dma.local [spmem:s12], $0x500  }
0x29: {  	_ =	swait.ge [sflag:s9], $0x500  }
0x2a: {  	[sflag:s9] =	ssyncset.done $0x0  }
0x2b: {  	[sflag:s9] =	ssyncadd.s32 $0xFFFFFB00  }
0x2c: {  	_ =	sfence.sel $0x180000  }
0x2d: {  	[bflag:$0x0] =	sbarrier.arrive $0xFFFF  }
0x2e: {  	p0 =	sne.s32 s0, $0x0;
	_ =	strace $0x90000047  }
0x2f: {  	s0 =	sadd.s32 @!p0 $0x100000, s2;
	[bflag:$0x2] =	sbarrier.arrive $0xFFFF  }
0x30: {  	[sflag:s0] =	ssyncadd.tile.s32 @!p0 $0x1;
	_ =	shalt  }
.Lfunc_end2:
_tile_overlayer_lowered:
.L_overlay_start_2:
0x31: {  	(tag) =	ssettag $0x2  }
0x32: {  	s0 =	rddreg [dreg:$0x0];
	s2 =	stileid.u32  }
0x33: {  	s1 =	rddreg [dreg:$0x1];
	p0 =	sne.s32 s2, $0x0  }
0x34: {  	s3 =	rddreg [dreg:$0x2];
	[bflag:$0x3] =	sbarrier.arrive $0xFFFF;
	s2 =	simm.s32 @!p0 $0x1C01  }
0x35: {  	[timem:s3], [sflag:s2] =	dma.local @!p0 [hbm:s0], s1  }
0x36: {  	s0 =	simm.s32 @!p0 $0x1  }
0x37: {  	_ =	swait.ge @!p0 [sflag:s0], s1  }
0x38: {  	s1 =	ssub.s32 @!p0 $0x0, s1;
	[sflag:s0] =	ssyncset.done @!p0 $0x0  }
0x39: {  	[sflag:s0] =	ssyncadd.s32 @!p0 s1  }
0x3a: {  	[bflag:$0x3] =	sbarrier.arrive $0xFFFF  }
0x3b: {  	_ =	shalt  }

// kernel: kernel.15.cloned.1.call-start
scs
__scs_entry_jumppad:
0x0: {  	(pc) =	sbr.rel $0x88, $3  }
0x1: {  	(tag) =	ssettag $0x0;
	lr =	simm.s32 $0x1  }
0x2: {  	[smem:$0x3F97] =	sst lr;
	_ =	strace $0xD0000000  }
0x3: {  	_ = 	snop  }
0x4: {  	_ = 	snop  }
0x5: {  	_ = 	snop  }
0x6: {  	_ = 	snop  }
0x7: {  	_ = 	snop  }
__scs_overlays_trampoline_lowered:
0x8: {  	[smem:$0x3FA6] =	sst s0  }
0x9: {  	[smem:$0x3FA7] =	sst s1  }
0xa: {  	[smem:$0x3FA8] =	sst s2  }
0xb: {  	[smem:$0x3FA9] =	sst s3  }
0xc: {  	[smem:$0x3FAA] =	sst s4  }
0xd: {  	[smem:$0x3FAB] =	sst s5  }
0xe: {  	[smem:$0x3FAC] =	sst s6  }
0xf: {  	[smem:$0x3FAD] =	sst s7  }
0x10: {  	[smem:$0x3FAE] =	sst s8  }
0x11: {  	[smem:$0x3FAF] =	sst s9;
	s0 =	simm.s32 @!p0 $0x0  }
0x12: {  	s1 =	sld [smem:$0x3F95];
	s0 =	simm.s32 @p0 $0x1  }
0x13: {  	[smem:$0x3FB0] =	sst s0;
	s0 =	simm.s32 @!p1 $0x0  }
0x14: {  	s2 =	sld [smem:$0x3F94];
	s0 =	simm.s32 @p1 $0x1  }
0x15: {  	[smem:$0x3FB1] =	sst s0;
	s0 =	simm.s32 @!p2 $0x0  }
0x16: {  	s3 =	sld [smem:$0x3FDB];
	s0 =	simm.s32 @p2 $0x1  }
0x17: {  	s4 =	simm.s32 $0x1BF5;
	[smem:$0x3FB3] =	sst s0  }
0x18: {  	s0 =	sld [smem:$0x3F96];
	_ =	swait.ge [sflag:s4], $0x0  }
0x19: {  	s7 =	sld [smem:$0x3F97]  }
0x1a: {  	s8 =	sadd.s32 $0xFFFFE003, lr  }
0x1b: {  	s9 =	sadd.s32 $0xFFFFFEF7, lr;
	s5 =	simm.s32 $0xFFFFFFFF;
	p2 =	slt.u32 s8, $0xFFFFF086  }
0x1c: {  	p1 =	slt.u32 s9, $0xF7A;
	s5 =	simm.s32 @!p2 $0x0  }
0x1d: {  	s5 =	simm.s32 @p1 $0x1;
	p0 =	seq.s32 s7, s2  }
0x1e: {  	s7 =	smul.u32 @!p0 $0xF7A, s2;
	p2 =	seq.s32 @!p0 s5, $0x0  }
0x1f: {  	s9 =	smul.u32 $0xF7A, s1;
	s8 =	simm.s32 @!p0 $0x1BF5;
	p2 =	por !p2, p0  }
0x20: {  	[sflag:s8] =	ssyncset.s32 @!p0 $0xFFFFF086;
	s6 =	sadd.s32 @!p0 s3, s7;
	s7 =	simm.s32 @!p0 $0x108  }
0x21: {  	s3 =	sadd.s32 s3, s9;
	s6 =	sadd.s32 @!p0 $0x88, s6;
	s7 =	simm.s32 @p2 $0x1082  }
0x22: {  	[simem:s7], [sflag:s8] =	dma.local @!p0 [hbm:s6], $0xF7A  }
0x23: {  	s9 =	sor.u32 $0xD0000000, s2;
	s6 =	simm.s32 $0x108;
	_ =	swait.ge @!p0 [sflag:s8], $0x0  }
0x24: {  	s3 =	sadd.s32 $0x88, s3;
	s6 =	simm.s32 @!p1 $0x1082;
	[sflag:s4] =	ssyncset.s32 $0xFFFFF086  }
0x25: {  	[simem:s6], [sflag:s4] =	dma.local [hbm:s3], $0xF7A  }
0x26: {  	[smem:$0x3F97] =	sst s1;
	(tag) =	ssettag s2;
	_ =	strace s9  }
0x27: {  	s1 =	sld [smem:$0x3FA7]  }
0x28: {  	s2 =	sld [smem:$0x3FA8]  }
0x29: {  	s4 =	sld [smem:$0x3FAA]  }
0x2a: {  	p0 =	seq.s32 s5, $0x0;
	s5 =	sld [smem:$0x3FAB]  }
0x2b: {  	s6 =	sld [smem:$0x3FAC]  }
0x2c: {  	s7 =	sld [smem:$0x3FAD]  }
0x2d: {  	s3 =	simm.s32 $0x108;
	s8 =	sld [smem:$0x3FAE]  }
0x2e: {  	s3 =	simm.s32 @!p0 $0x1082;
	s9 =	sld [smem:$0x3FAF]  }
0x2f: {  	lr =	sadd.s32 s0, s3;
	s0 =	sld [smem:$0x3FA6]  }
0x30: {  	s3 =	sld [smem:$0x3FA9]  }
0x31: {  	[smem:$0x3FB2] =	sst s10  }
0x32: {  	s10 =	sld [smem:$0x3FB0];
	_ =	sdelay $0x3  }
0x33: {  	p0 =	seq.s32 s10, $0x1;
	s10 =	sld [smem:$0x3FB2];
	_ =	sdelay $0x3  }
0x34: {  	[smem:$0x3FB2] =	sst s10  }
0x35: {  	s10 =	sld [smem:$0x3FB1];
	_ =	sdelay $0x3  }
0x36: {  	p1 =	seq.s32 s10, $0x1;
	s10 =	sld [smem:$0x3FB2];
	_ =	sdelay $0x3  }
0x37: {  	[smem:$0x3FB2] =	sst s10  }
0x38: {  	s10 =	sld [smem:$0x3FB3]  }
0x39: {  	_ = 	snop;
	(pc) =	sbr.ind lr, $3  }
0x3a: {  	_ = 	snop  }
0x3b: {  	_ = 	snop  }
0x3c: {  	p2 =	seq.s32 s10, $0x1;
	s10 =	sld [smem:$0x3FB2]  }
0x3d: {  	_ =	shalt  }
0x3e: {  	_ =	shalt  }
0x3f: {  	_ =	shalt  }
0x40: {  	_ =	shalt  }
0x41: {  	_ =	shalt  }
0x42: {  	_ =	shalt  }
0x43: {  	_ =	shalt  }
0x44: {  	_ =	shalt  }
0x45: {  	_ =	shalt  }
0x46: {  	_ =	shalt  }
0x47: {  	_ =	shalt  }
0x48: {  	_ =	shalt  }
0x49: {  	_ =	shalt  }
0x4a: {  	_ =	shalt  }
0x4b: {  	_ =	shalt  }
0x4c: {  	_ =	shalt  }
0x4d: {  	_ =	shalt  }
0x4e: {  	_ =	shalt  }
0x4f: {  	_ =	shalt  }
0x50: {  	_ =	shalt  }
0x51: {  	_ =	shalt  }
0x52: {  	_ =	shalt  }
0x53: {  	_ =	shalt  }
0x54: {  	_ =	shalt  }
0x55: {  	_ =	shalt  }
0x56: {  	_ =	shalt  }
0x57: {  	_ =	shalt  }
0x58: {  	_ =	shalt  }
0x59: {  	_ =	shalt  }
0x5a: {  	_ =	shalt  }
0x5b: {  	_ =	shalt  }
0x5c: {  	_ =	shalt  }
0x5d: {  	_ =	shalt  }
0x5e: {  	_ =	shalt  }
0x5f: {  	_ =	shalt  }
0x60: {  	_ =	shalt  }
0x61: {  	_ =	shalt  }
0x62: {  	_ =	shalt  }
0x63: {  	_ =	shalt  }
0x64: {  	_ =	shalt  }
0x65: {  	_ =	shalt  }
0x66: {  	_ =	shalt  }
0x67: {  	_ =	shalt  }
0x68: {  	_ =	shalt  }
0x69: {  	_ =	shalt  }
0x6a: {  	_ =	shalt  }
0x6b: {  	_ =	shalt  }
0x6c: {  	_ =	shalt  }
0x6d: {  	_ =	shalt  }
0x6e: {  	_ =	shalt  }
0x6f: {  	_ =	shalt  }
0x70: {  	_ =	shalt  }
0x71: {  	_ =	shalt  }
0x72: {  	_ =	shalt  }
0x73: {  	_ =	shalt  }
0x74: {  	_ =	shalt  }
0x75: {  	_ =	shalt  }
0x76: {  	_ =	shalt  }
0x77: {  	_ =	shalt  }
0x78: {  	_ =	shalt  }
0x79: {  	_ =	shalt  }
0x7a: {  	_ =	shalt  }
0x7b: {  	_ =	shalt  }
0x7c: {  	_ =	shalt  }
0x7d: {  	_ =	shalt  }
0x7e: {  	_ =	shalt  }
0x7f: {  	_ =	shalt  }
0x80: {  	_ =	shalt  }
0x81: {  	_ =	shalt  }
0x82: {  	_ =	shalt  }
0x83: {  	_ =	shalt  }
0x84: {  	_ =	shalt  }
0x85: {  	_ =	shalt  }
0x86: {  	_ =	shalt  }
0x87: {  	_ =	shalt  }
.Lfunc_end0:
.L_simem_size_0:
called_computation.1_lowered:
.L_overlay_start_0:
0x88: {  	s2 =	sld [smem:$0x3FD9]  }
0x89: {  	s3 =	sld [smem:$0x3FFE];
	_ =	sdelay $0x1  }
0x8a: {  	s1 =	srdreg.scid  }
0x8b: {  	s0 =	sand.u32 $0x1, s1  }
0x8c: {  	s16 =	sshll.u32 s0, $0xA;
	s2 =	sadd.s32 s3, s2  }
0x8d: {  	s2 =	sadd.s32 s2, s16  }
0x8e: {  	[smem:$0x3FBE] =	sst s2  }
0x8f: {  	_ = 	snop  }
0x90: {  	(tm) =	ssettm $0x1  }
0x91: {  	s17 =	sld [smem:$0x3FFB];
	_ =	sdelay $0x3  }
0x92: {  	_ =	strace s17  }
0x93: {  	s2 =	sld [smem:$0x3FFC];
	_ =	sdelay $0x3  }
0x94: {  	_ =	strace s2  }
0x95: {  	s2 =	sld [smem:$0x3FFD];
	_ =	sdelay $0x3  }
0x96: {  	_ =	strace s2  }
0x97: {  	_ =	strace $0x8FFFFFFF  }
0x98: {  	s18 =	sld [smem:$0x3FDB];
	_ =	sdelay $0x1  }
0x99: {  	s19 =	simm.s32 $_scs_section_size  }
0x9a: {  	s4 =	simm.s32 $_size__tile_overlayer_lowered;
	s5 =	simm.s32 $_tile_overlayer_lowered  }
0x9b: {  	s22 =	simm.s32 $0x1BFF;
	s21 =	sshll.u32 s5, $0x1;
	s2 =	sadd.s32 s19, s18  }
0x9c: {  	s6 =	simm.s32 $0x0;
	s20 =	sshll.u32 s4, $0x1;
	s4 =	sadd.s32 s21, s2  }
0x9d: {  	[timem:s6], [sflag:s22] =	dma.local [hbm:s4], s20  }
0x9e: {  	_ =	swait.ge [sflag:s22], s20  }
0x9f: {  	s3 =	ssub.s32 $0x0, s20;
	[sflag:s22] =	ssyncset.done $0x0  }
0xa0: {  	[sflag:s22] =	ssyncadd.s32 s3;
	_ =	sdelay $0x1  }
0xa1: {  	s23 =	simm.s32 $0x1B8B  }
0xa2: {  	_ =	swait.ge [sflag:s23], $0x1  }
0xa3: {  	[sflag:s23] =	ssyncset.done $0x0  }
0xa4: {  	s25 =	simm.s32 $0x1B8E;
	s24 =	sld [smem:$0x3FFE];
	[sflag:s23] =	ssyncadd.s32 $0xFFFFFFFF  }
0xa5: {  	s26 =	simm.s32 $execute0_lowered;
	[smem:$0x3FD2] =	sst s25  }
0xa6: {  	s4 =	sshll.u32 s26, $0x1;
	_ =	strace $0x80000049;
	[dreg:$0x1] =	wrdreg $0xFFFFFFFF  }
0xa7: {  	s28 =	simm.s32 $_size_execute0_lowered;
	s2 =	sadd.s32 s2, s4;
	[dreg:$0x0] =	wrdreg $0x0  }
0xa8: {  	s4 =	sshll.u32 s28, $0x1;
	[dreg:$0x2] =	wrdreg s2  }
0xa9: {  	[dreg:$0x3] =	wrdreg s4  }
0xaa: {  	[dreg:$0x4] =	wrdreg $0xC0  }
0xab: {  	_ =	task [dreg:s6], $0x5FFFF  }
0xac: {  	[dreg:$0x1] =	wrdreg $0xFFFFFFFF  }
0xad: {  	[dreg:$0x0] =	wrdreg $0x60  }
0xae: {  	[dreg:$0x2] =	wrdreg s24  }
0xaf: {  	[dreg:$0x3] =	wrdreg $0x8F000  }
0xb0: {  	[dreg:$0x4] =	wrdreg $0x9  }
0xb1: {  	_ =	task.clear_ibuf [dreg:s6], $0x5FFFF;
	_ =	strace $0x90000049  }
0xb2: {  	s29 =	simm.s32 $0x9;
	_ =	strace $0x8000004B  }
0xb3: {  	_ =	swait.ge [sflag:s29], $0x1  }
0xb4: {  	[sflag:s29] =	ssyncadd.s32 $0xFFFFFFFF  }
0xb5: {  	_ =	strace $0x9000004B  }
0xb6: {  	_ =	sfence  }
0xb7: {  	s30 =	sld [smem:$0x0];
	_ =	sdelay $0x2  }
0xb8: {  	s31 =	sshll.u32 s1, $0xD;
	s1 =	sshrl.u32 s1, $0x2  }
0xb9: {  	s3 =	sand.u32 $0x4000, s31;
	s1 =	sadd.s32 s1, s30  }
0xba: {  	s0 =	sor.u32 s3, s0;
	s1 =	sshll.u32 s1, $0x11  }
0xbb: {  	s0 =	sor.u32 s1, s0  }
0xbc: {  	s0 =	sadd.s32 $0x8F2B, s0  }
0xbd: {  	[sflag:s0] =	ssyncadd.remote.s32 $0x1  }
0xbe: {  	_ =	sfence.sel $0xFFFF  }
0xbf: {  	[dreg:$0x0] =	wrdreg $0xFFFFFFFF;
	(pc) =	sbr.abs _section_cstart, $3  }
0xc0: {  	[dreg:$0x1] =	wrdreg $0xFFFFFFFF  }
0xc1: {  	_ =	task.clear_ibuf [dreg:s6], $0x2FFFF;
	_ =	strace $0x9FFFFFFF  }
0xc2: {  	(tm) =	ssettm $0x7FFFFFFF  }
0xc3: {  	_ =	shalt  }
tec
execute0_lowered:
.L_overlay_start_1:
0x0: {  	(tag) =	ssettag $0x1  }
0x1: {  	s1 =	srdreg.scid  }
0x2: {  	s0 =	stileid.u32;
	s6 =	rddreg [dreg:$0x0]  }
0x3: {  	s2 =	rddreg [dreg:$0x1];
	s3 =	simm.s32 $0x0;
	s14 =	simm.s32 $0x80  }
0x4: {  	s15 =	simm.s32 $0x4F00;
	s16 =	simm.s32 $0x1;
	s17 =	simm.s32 $0x0  }
0x5: {  	s5 =	sand.u32 $0x1, s1;
	s31 =	sshll.u32 s0, $0x1;
	s8 =	smul.u32 $0x14000, s0  }
0x6: {  	[smem:$0x7FF] =	sst s3;
	s4 =	sadd.s32 $0x75E00, s6;
	s12 =	sshll.u32 s0, $0x6  }
0x7: {  	s1 =	sor.u32 s5, s31;
	s9 =	smul.u32 $0x140000, s5;
	s5 =	ssub.s32 $0x2, s5  }
0x8: {  	s12 =	sor.u32 $0x1C02, s12;
	s7 =	smul.u32 $0x4F0, s1;
	s1 =	rddreg [dreg:$0x2]  }
0x9: {  	_ =	strace $0x8000004A;
	s10 =	sshrl.u32 s8, $0x3;
	s11 =	sshrl.u32 s5, $0x1  }
0xa: {  	s13 =	sadd.s32 s8, s2;
	s9 =	sadd.s32 s8, s9;
	s10 =	sadd.s32 s10, s6  }
0xb: {  	s11 =	ssub.s32 s5, s11;
	s7 =	sadd.s32 s7, s6;
	s9 =	sshrl.u32 s9, $0x3  }
0xc: {  	s13 =	sshrl.u32 s13, $0x3;
	s9 =	sadd.s32 s9, s6;
	s5 =	sadd.s32 $0x1C000, s7  }
0xd: {  	s6 =	sadd.s32 $0x3200, s7;
	s7 =	sadd.s32 $0x9DE00, s10;
	s10 =	simm.s32 $0x2  }
0xe: {  	s8 =	sadd.s32 $0xC5E00, s9;
	s9 =	smax.u32 s11, $0x1;
	s11 =	simm.s32 $0x2780  }
.LBB2_1:
0xf: {  	[tilespmem:s3], [sflag:$0x2] =	stream.linear.gather [hbm4b:s5+s3], $0x2780, $0x38;
	[tilespmem:$0x1CF00] =	vst v63  }
0x10: {  	_ =	swait.ge [sflag:s10], $0x2780  }
0x11: {  	[sflag:s10] =	ssyncset.done $0x0  }
0x12: {  	[sflag:s10] =	ssyncadd.s32 $0xFFFFD880  }
0x13: {  	[tilespmem:s11], [sflag:$0x2] =	stream.linear.gather [hbm4b:s6+s3], $0x2780, $0x38;
	[tilespmem:$0x1CF00] =	vst v63  }
0x14: {  	_ =	swait.ge [sflag:s10], $0x2780  }
0x15: {  	[sflag:s10] =	ssyncset.done $0x0  }
0x16: {  	[sflag:s10] =	ssyncadd.s32 $0xFFFFD880  }
0x17: {  	[spmem:s13], [sflag:s12] =	dma.local [hbm:s7], $0x2800  }
0x18: {  	_ =	swait.ge [sflag:s10], $0x2800  }
0x19: {  	[sflag:s10] =	ssyncset.done $0x0  }
0x1a: {  	[sflag:s10] =	ssyncadd.s32 $0xFFFFD800  }
0x1b: {  	s18 =	simm.s32 $0x0;
	[bflag:$0x0] =	sbarrier.arrive $0xFFFF  }
0x1c: {  	[tilespmem:s15], [sflag:$0x1] =	stream.indirect.gather [hbm4b:s4+s14], $0x80, s18, s14, $0xb8;
	[tilespmem:$0x1CF00] =	vst v63  }
0x1d: {  	_ =	swait.ge [sflag:s16], $0x4000  }
0x1e: {  	[sflag:s16] =	ssyncset.done $0x0  }
0x1f: {  	s31 =	simm.s32 $0x2780;
	[sflag:s16] =	ssyncadd.s32 $0xFFFFC000  }
0x20: {  	[spmem:s2] =	stream.indirect.scatter.add.f32 [tilespmem:s15], [sflag:$0x2], $0x80, s31, s14, $0xb8;
	[tilespmem:$0x1CF00] =	vst v63  }
0x21: {  	_ =	swait.ge [sflag:s10], $0x4000  }
0x22: {  	s19 =	simm.s32 $0x400;
	s18 =	simm.s32 $0x200;
	[sflag:s10] =	ssyncset.done $0x0  }
.LBB2_2:
0x23: {  	s20 =	sshra.s32 s18, $0x2  }
0x24: {  	[sflag:s10] =	ssyncadd.s32 $0xFFFFC000;
	s18 =	smov.u32 s19;
	s21 =	sadd.s32 $0x200, s19  }
0x25: {  	[tilespmem:s15], [sflag:$0x1] =	stream.indirect.gather [hbm4b:s4+s14], $0x80, s20, s14, $0xb8;
	[tilespmem:$0x1CF00] =	vst v63  }
0x26: {  	p0 =	sne.s32 s19, $0x9C00;
	_ =	swait.ge [sflag:s16], $0x4000  }
.Ltmp0:
0x27: {  	[sflag:s16] =	ssyncset.done $0x0;
	(pc) =	sbr.rel @p0 .LBB2_2-.Ltmp0, $4  }
0x28: {  	s19 =	sadd.s32 $0x2780, s20;
	[sflag:s16] =	ssyncadd.s32 $0xFFFFC000  }
0x29: {  	[spmem:s2] =	stream.indirect.scatter.add.f32 [tilespmem:s15], [sflag:$0x2], $0x80, s19, s14, $0xb8;
	[tilespmem:$0x1CF00] =	vst v63  }
0x2a: {  	_ =	swait.ge [sflag:s10], $0x4000  }
0x2b: {  	s19 =	smov.u32 s21;
	[sflag:s10] =	ssyncset.done $0x0  }
0x2c: {  	s18 =	sshra.s32 s18, $0x2;
	[sflag:s10] =	ssyncadd.s32 $0xFFFFC000  }
0x2d: {  	[tilespmem:s15], [sflag:$0x1] =	stream.indirect.gather [hbm4b:s4+s14], $0x80, s18, s14, $0xb8;
	[tilespmem:$0x1CF00] =	vst v63  }
0x2e: {  	_ =	swait.ge [sflag:s16], $0x4000  }
0x2f: {  	[sflag:s16] =	ssyncset.done $0x0  }
0x30: {  	s18 =	sadd.s32 $0x2780, s18;
	[sflag:s16] =	ssyncadd.s32 $0xFFFFC000  }
0x31: {  	[spmem:s2] =	stream.indirect.scatter.add.f32 [tilespmem:s15], [sflag:$0x2], $0x80, s18, s14, $0xb8;
	[tilespmem:$0x1CF00] =	vst v63  }
0x32: {  	_ =	swait.ge [sflag:s10], $0x4000  }
0x33: {  	s17 =	sadd.s32 $0x1, s17;
	[sflag:s10] =	ssyncset.done $0x0  }
0x34: {  	p0 =	sne.s32 s17, s9;
	[sflag:s10] =	ssyncadd.s32 $0xFFFFC000  }
.Ltmp1:
0x35: {  	[bflag:$0x0] =	sbarrier.arrive $0xFFFF;
	(pc) =	sbr.rel @p0 .LBB2_1-.Ltmp1, $4  }
0x36: {  	[hbm:s8], [sflag:s12] =	dma.local [spmem:s13], $0x2800  }
0x37: {  	_ =	swait.ge [sflag:s10], $0x2800  }
0x38: {  	[sflag:s10] =	ssyncset.done $0x0  }
0x39: {  	[sflag:s10] =	ssyncadd.s32 $0xFFFFD800  }
0x3a: {  	_ =	sfence.sel $0x180000  }
0x3b: {  	[bflag:$0x0] =	sbarrier.arrive $0xFFFF  }
0x3c: {  	p0 =	sne.s32 s0, $0x0;
	_ =	strace $0x9000004A  }
0x3d: {  	s0 =	sadd.s32 @!p0 $0x100000, s1;
	[bflag:$0x2] =	sbarrier.arrive $0xFFFF  }
0x3e: {  	[sflag:s0] =	ssyncadd.tile.s32 @!p0 $0x1;
	_ =	shalt  }
.Lfunc_end2:
_tile_overlayer_lowered:
.L_overlay_start_2:
0x3f: {  	(tag) =	ssettag $0x2  }
0x40: {  	s0 =	rddreg [dreg:$0x0];
	s2 =	stileid.u32  }
0x41: {  	s1 =	rddreg [dreg:$0x1];
	p0 =	sne.s32 s2, $0x0  }
0x42: {  	s3 =	rddreg [dreg:$0x2];
	[bflag:$0x3] =	sbarrier.arrive $0xFFFF;
	s2 =	simm.s32 @!p0 $0x1C02  }
0x43: {  	[timem:s3], [sflag:s2] =	dma.local @!p0 [hbm:s0], s1  }
0x44: {  	s0 =	simm.s32 @!p0 $0x2  }
0x45: {  	_ =	swait.ge @!p0 [sflag:s0], s1  }
0x46: {  	s1 =	ssub.s32 @!p0 $0x0, s1;
	[sflag:s0] =	ssyncset.done @!p0 $0x0  }
0x47: {  	[sflag:s0] =	ssyncadd.s32 @!p0 s1  }
0x48: {  	[bflag:$0x3] =	sbarrier.arrive $0xFFFF  }
0x49: {  	_ =	shalt  }

// kernel: kernel.18.cloned.1.call-start
scs
__scs_entry_jumppad:
0x0: {  	(pc) =	sbr.rel $0x88, $3  }
0x1: {  	(tag) =	ssettag $0x0;
	lr =	simm.s32 $0x1  }
0x2: {  	[smem:$0x3F97] =	sst lr;
	_ =	strace $0xD0000000  }
0x3: {  	_ = 	snop  }
0x4: {  	_ = 	snop  }
0x5: {  	_ = 	snop  }
0x6: {  	_ = 	snop  }
0x7: {  	_ = 	snop  }
__scs_overlays_trampoline_lowered:
0x8: {  	[smem:$0x3FA6] =	sst s0  }
0x9: {  	[smem:$0x3FA7] =	sst s1  }
0xa: {  	[smem:$0x3FA8] =	sst s2  }
0xb: {  	[smem:$0x3FA9] =	sst s3  }
0xc: {  	[smem:$0x3FAA] =	sst s4  }
0xd: {  	[smem:$0x3FAB] =	sst s5  }
0xe: {  	[smem:$0x3FAC] =	sst s6  }
0xf: {  	[smem:$0x3FAD] =	sst s7  }
0x10: {  	[smem:$0x3FAE] =	sst s8  }
0x11: {  	[smem:$0x3FAF] =	sst s9;
	s0 =	simm.s32 @!p0 $0x0  }
0x12: {  	s1 =	sld [smem:$0x3F95];
	s0 =	simm.s32 @p0 $0x1  }
0x13: {  	[smem:$0x3FB0] =	sst s0;
	s0 =	simm.s32 @!p1 $0x0  }
0x14: {  	s2 =	sld [smem:$0x3F94];
	s0 =	simm.s32 @p1 $0x1  }
0x15: {  	[smem:$0x3FB1] =	sst s0;
	s0 =	simm.s32 @!p2 $0x0  }
0x16: {  	s3 =	sld [smem:$0x3FDB];
	s0 =	simm.s32 @p2 $0x1  }
0x17: {  	s4 =	simm.s32 $0x1BF5;
	[smem:$0x3FB3] =	sst s0  }
0x18: {  	s0 =	sld [smem:$0x3F96];
	_ =	swait.ge [sflag:s4], $0x0  }
0x19: {  	s7 =	sld [smem:$0x3F97]  }
0x1a: {  	s8 =	sadd.s32 $0xFFFFE003, lr  }
0x1b: {  	s9 =	sadd.s32 $0xFFFFFEF7, lr;
	s5 =	simm.s32 $0xFFFFFFFF;
	p2 =	slt.u32 s8, $0xFFFFF086  }
0x1c: {  	p1 =	slt.u32 s9, $0xF7A;
	s5 =	simm.s32 @!p2 $0x0  }
0x1d: {  	s5 =	simm.s32 @p1 $0x1;
	p0 =	seq.s32 s7, s2  }
0x1e: {  	s7 =	smul.u32 @!p0 $0xF7A, s2;
	p2 =	seq.s32 @!p0 s5, $0x0  }
0x1f: {  	s9 =	smul.u32 $0xF7A, s1;
	s8 =	simm.s32 @!p0 $0x1BF5;
	p2 =	por !p2, p0  }
0x20: {  	[sflag:s8] =	ssyncset.s32 @!p0 $0xFFFFF086;
	s6 =	sadd.s32 @!p0 s3, s7;
	s7 =	simm.s32 @!p0 $0x108  }
0x21: {  	s3 =	sadd.s32 s3, s9;
	s6 =	sadd.s32 @!p0 $0x88, s6;
	s7 =	simm.s32 @p2 $0x1082  }
0x22: {  	[simem:s7], [sflag:s8] =	dma.local @!p0 [hbm:s6], $0xF7A  }
0x23: {  	s9 =	sor.u32 $0xD0000000, s2;
	s6 =	simm.s32 $0x108;
	_ =	swait.ge @!p0 [sflag:s8], $0x0  }
0x24: {  	s3 =	sadd.s32 $0x88, s3;
	s6 =	simm.s32 @!p1 $0x1082;
	[sflag:s4] =	ssyncset.s32 $0xFFFFF086  }
0x25: {  	[simem:s6], [sflag:s4] =	dma.local [hbm:s3], $0xF7A  }
0x26: {  	[smem:$0x3F97] =	sst s1;
	(tag) =	ssettag s2;
	_ =	strace s9  }
0x27: {  	s1 =	sld [smem:$0x3FA7]  }
0x28: {  	s2 =	sld [smem:$0x3FA8]  }
0x29: {  	s4 =	sld [smem:$0x3FAA]  }
0x2a: {  	p0 =	seq.s32 s5, $0x0;
	s5 =	sld [smem:$0x3FAB]  }
0x2b: {  	s6 =	sld [smem:$0x3FAC]  }
0x2c: {  	s7 =	sld [smem:$0x3FAD]  }
0x2d: {  	s3 =	simm.s32 $0x108;
	s8 =	sld [smem:$0x3FAE]  }
0x2e: {  	s3 =	simm.s32 @!p0 $0x1082;
	s9 =	sld [smem:$0x3FAF]  }
0x2f: {  	lr =	sadd.s32 s0, s3;
	s0 =	sld [smem:$0x3FA6]  }
0x30: {  	s3 =	sld [smem:$0x3FA9]  }
0x31: {  	[smem:$0x3FB2] =	sst s10  }
0x32: {  	s10 =	sld [smem:$0x3FB0];
	_ =	sdelay $0x3  }
0x33: {  	p0 =	seq.s32 s10, $0x1;
	s10 =	sld [smem:$0x3FB2];
	_ =	sdelay $0x3  }
0x34: {  	[smem:$0x3FB2] =	sst s10  }
0x35: {  	s10 =	sld [smem:$0x3FB1];
	_ =	sdelay $0x3  }
0x36: {  	p1 =	seq.s32 s10, $0x1;
	s10 =	sld [smem:$0x3FB2];
	_ =	sdelay $0x3  }
0x37: {  	[smem:$0x3FB2] =	sst s10  }
0x38: {  	s10 =	sld [smem:$0x3FB3]  }
0x39: {  	_ = 	snop;
	(pc) =	sbr.ind lr, $3  }
0x3a: {  	_ = 	snop  }
0x3b: {  	_ = 	snop  }
0x3c: {  	p2 =	seq.s32 s10, $0x1;
	s10 =	sld [smem:$0x3FB2]  }
0x3d: {  	_ =	shalt  }
0x3e: {  	_ =	shalt  }
0x3f: {  	_ =	shalt  }
0x40: {  	_ =	shalt  }
0x41: {  	_ =	shalt  }
0x42: {  	_ =	shalt  }
0x43: {  	_ =	shalt  }
0x44: {  	_ =	shalt  }
0x45: {  	_ =	shalt  }
0x46: {  	_ =	shalt  }
0x47: {  	_ =	shalt  }
0x48: {  	_ =	shalt  }
0x49: {  	_ =	shalt  }
0x4a: {  	_ =	shalt  }
0x4b: {  	_ =	shalt  }
0x4c: {  	_ =	shalt  }
0x4d: {  	_ =	shalt  }
0x4e: {  	_ =	shalt  }
0x4f: {  	_ =	shalt  }
0x50: {  	_ =	shalt  }
0x51: {  	_ =	shalt  }
0x52: {  	_ =	shalt  }
0x53: {  	_ =	shalt  }
0x54: {  	_ =	shalt  }
0x55: {  	_ =	shalt  }
0x56: {  	_ =	shalt  }
0x57: {  	_ =	shalt  }
0x58: {  	_ =	shalt  }
0x59: {  	_ =	shalt  }
0x5a: {  	_ =	shalt  }
0x5b: {  	_ =	shalt  }
0x5c: {  	_ =	shalt  }
0x5d: {  	_ =	shalt  }
0x5e: {  	_ =	shalt  }
0x5f: {  	_ =	shalt  }
0x60: {  	_ =	shalt  }
0x61: {  	_ =	shalt  }
0x62: {  	_ =	shalt  }
0x63: {  	_ =	shalt  }
0x64: {  	_ =	shalt  }
0x65: {  	_ =	shalt  }
0x66: {  	_ =	shalt  }
0x67: {  	_ =	shalt  }
0x68: {  	_ =	shalt  }
0x69: {  	_ =	shalt  }
0x6a: {  	_ =	shalt  }
0x6b: {  	_ =	shalt  }
0x6c: {  	_ =	shalt  }
0x6d: {  	_ =	shalt  }
0x6e: {  	_ =	shalt  }
0x6f: {  	_ =	shalt  }
0x70: {  	_ =	shalt  }
0x71: {  	_ =	shalt  }
0x72: {  	_ =	shalt  }
0x73: {  	_ =	shalt  }
0x74: {  	_ =	shalt  }
0x75: {  	_ =	shalt  }
0x76: {  	_ =	shalt  }
0x77: {  	_ =	shalt  }
0x78: {  	_ =	shalt  }
0x79: {  	_ =	shalt  }
0x7a: {  	_ =	shalt  }
0x7b: {  	_ =	shalt  }
0x7c: {  	_ =	shalt  }
0x7d: {  	_ =	shalt  }
0x7e: {  	_ =	shalt  }
0x7f: {  	_ =	shalt  }
0x80: {  	_ =	shalt  }
0x81: {  	_ =	shalt  }
0x82: {  	_ =	shalt  }
0x83: {  	_ =	shalt  }
0x84: {  	_ =	shalt  }
0x85: {  	_ =	shalt  }
0x86: {  	_ =	shalt  }
0x87: {  	_ =	shalt  }
.Lfunc_end0:
.L_simem_size_0:
called_computation.2_lowered:
.L_overlay_start_0:
0x88: {  	s2 =	sld [smem:$0x3FD9]  }
0x89: {  	s3 =	sld [smem:$0x3FFE];
	_ =	sdelay $0x1  }
0x8a: {  	s1 =	srdreg.scid  }
0x8b: {  	s0 =	sand.u32 $0x1, s1  }
0x8c: {  	s16 =	sshll.u32 s0, $0xA;
	s2 =	sadd.s32 s3, s2  }
0x8d: {  	s2 =	sadd.s32 s2, s16  }
0x8e: {  	[smem:$0x3FBE] =	sst s2  }
0x8f: {  	_ = 	snop  }
0x90: {  	(tm) =	ssettm $0x1  }
0x91: {  	s17 =	sld [smem:$0x3FFB];
	_ =	sdelay $0x3  }
0x92: {  	_ =	strace s17  }
0x93: {  	s2 =	sld [smem:$0x3FFC];
	_ =	sdelay $0x3  }
0x94: {  	_ =	strace s2  }
0x95: {  	s2 =	sld [smem:$0x3FFD];
	_ =	sdelay $0x3  }
0x96: {  	_ =	strace s2  }
0x97: {  	_ =	strace $0x8FFFFFFF  }
0x98: {  	s18 =	sld [smem:$0x3FDB];
	_ =	sdelay $0x1  }
0x99: {  	s19 =	simm.s32 $_scs_section_size  }
0x9a: {  	s4 =	simm.s32 $_size__tile_overlayer_lowered;
	s5 =	simm.s32 $_tile_overlayer_lowered  }
0x9b: {  	s22 =	simm.s32 $0x1BFF;
	s21 =	sshll.u32 s5, $0x1;
	s2 =	sadd.s32 s19, s18  }
0x9c: {  	s6 =	simm.s32 $0x0;
	s20 =	sshll.u32 s4, $0x1;
	s4 =	sadd.s32 s21, s2  }
0x9d: {  	[timem:s6], [sflag:s22] =	dma.local [hbm:s4], s20  }
0x9e: {  	_ =	swait.ge [sflag:s22], s20  }
0x9f: {  	s3 =	ssub.s32 $0x0, s20;
	[sflag:s22] =	ssyncset.done $0x0  }
0xa0: {  	[sflag:s22] =	ssyncadd.s32 s3;
	_ =	sdelay $0x1  }
0xa1: {  	s23 =	simm.s32 $0x1B8B  }
0xa2: {  	_ =	swait.ge [sflag:s23], $0x1  }
0xa3: {  	[sflag:s23] =	ssyncset.done $0x0  }
0xa4: {  	s25 =	simm.s32 $0x1B8E;
	s24 =	sld [smem:$0x3FFE];
	[sflag:s23] =	ssyncadd.s32 $0xFFFFFFFF  }
0xa5: {  	s26 =	simm.s32 $execute0_lowered;
	[smem:$0x3FD2] =	sst s25  }
0xa6: {  	s4 =	sshll.u32 s26, $0x1;
	_ =	strace $0x8000004C;
	[dreg:$0x1] =	wrdreg $0xFFFFFFFF  }
0xa7: {  	s28 =	simm.s32 $_size_execute0_lowered;
	s2 =	sadd.s32 s2, s4;
	[dreg:$0x0] =	wrdreg $0x0  }
0xa8: {  	s4 =	sshll.u32 s28, $0x1;
	[dreg:$0x2] =	wrdreg s2  }
0xa9: {  	[dreg:$0x3] =	wrdreg s4  }
0xaa: {  	[dreg:$0x4] =	wrdreg $0xC0  }
0xab: {  	_ =	task [dreg:s6], $0x5FFFF  }
0xac: {  	[dreg:$0x1] =	wrdreg $0xFFFFFFFF  }
0xad: {  	[dreg:$0x0] =	wrdreg $0x60  }
0xae: {  	[dreg:$0x2] =	wrdreg s24  }
0xaf: {  	[dreg:$0x3] =	wrdreg $0x6F000  }
0xb0: {  	[dreg:$0x4] =	wrdreg $0x9  }
0xb1: {  	_ =	task.clear_ibuf [dreg:s6], $0x5FFFF;
	_ =	strace $0x9000004C  }
0xb2: {  	s29 =	simm.s32 $0x9;
	_ =	strace $0x8000004E  }
0xb3: {  	_ =	swait.ge [sflag:s29], $0x1  }
0xb4: {  	[sflag:s29] =	ssyncadd.s32 $0xFFFFFFFF  }
0xb5: {  	_ =	strace $0x9000004E  }
0xb6: {  	_ =	sfence  }
0xb7: {  	s30 =	sld [smem:$0x0];
	_ =	sdelay $0x2  }
0xb8: {  	s31 =	sshll.u32 s1, $0xD;
	s1 =	sshrl.u32 s1, $0x2  }
0xb9: {  	s3 =	sand.u32 $0x4000, s31;
	s1 =	sadd.s32 s1, s30  }
0xba: {  	s0 =	sor.u32 s3, s0;
	s1 =	sshll.u32 s1, $0x11  }
0xbb: {  	s0 =	sor.u32 s1, s0  }
0xbc: {  	s0 =	sadd.s32 $0x8F2B, s0  }
0xbd: {  	[sflag:s0] =	ssyncadd.remote.s32 $0x1  }
0xbe: {  	_ =	sfence.sel $0xFFFF  }
0xbf: {  	[dreg:$0x0] =	wrdreg $0xFFFFFFFF;
	(pc) =	sbr.abs _section_cstart, $3  }
0xc0: {  	[dreg:$0x1] =	wrdreg $0xFFFFFFFF  }
0xc1: {  	_ =	task.clear_ibuf [dreg:s6], $0x2FFFF;
	_ =	strace $0x9FFFFFFF  }
0xc2: {  	(tm) =	ssettm $0x7FFFFFFF  }
0xc3: {  	_ =	shalt  }
tec
execute0_lowered:
.L_overlay_start_1:
0x0: {  	(tag) =	ssettag $0x1  }
0x1: {  	s1 =	srdreg.scid  }
0x2: {  	s0 =	stileid.u32;
	s6 =	rddreg [dreg:$0x0]  }
0x3: {  	s2 =	rddreg [dreg:$0x1];
	s3 =	simm.s32 $0x0;
	s14 =	simm.s32 $0x80  }
0x4: {  	s15 =	simm.s32 $0x4F00;
	s16 =	simm.s32 $0x1;
	s17 =	simm.s32 $0x0  }
0x5: {  	s5 =	sand.u32 $0x1, s1;
	s31 =	sshll.u32 s0, $0x1;
	s8 =	smul.u32 $0xA000, s0  }
0x6: {  	[smem:$0x7FF] =	sst s3;
	s4 =	sadd.s32 $0x75E00, s6;
	s12 =	sshll.u32 s0, $0x6  }
0x7: {  	s1 =	sor.u32 s5, s31;
	s9 =	smul.u32 $0xA0000, s5;
	s5 =	ssub.s32 $0x2, s5  }
0x8: {  	s12 =	sor.u32 $0x1C02, s12;
	s7 =	smul.u32 $0x4F0, s1;
	s1 =	rddreg [dreg:$0x2]  }
0x9: {  	_ =	strace $0x8000004D;
	s10 =	sshrl.u32 s8, $0x3;
	s11 =	sshrl.u32 s5, $0x1  }
0xa: {  	s13 =	sadd.s32 s8, s2;
	s9 =	sadd.s32 s8, s9;
	s10 =	sadd.s32 s10, s6  }
0xb: {  	s11 =	ssub.s32 s5, s11;
	s7 =	sadd.s32 s7, s6;
	s9 =	sshrl.u32 s9, $0x3  }
0xc: {  	s13 =	sshrl.u32 s13, $0x3;
	s9 =	sadd.s32 s9, s6;
	s5 =	sadd.s32 $0x1C000, s7  }
0xd: {  	s6 =	sadd.s32 $0x3200, s7;
	s7 =	sadd.s32 $0x89E00, s10;
	s10 =	simm.s32 $0x2  }
0xe: {  	s8 =	sadd.s32 $0x9DE00, s9;
	s9 =	smax.u32 s11, $0x1;
	s11 =	simm.s32 $0x2780  }
.LBB2_1:
0xf: {  	[tilespmem:s3], [sflag:$0x2] =	stream.linear.gather [hbm4b:s5+s3], $0x2780, $0x38;
	[tilespmem:$0x10F00] =	vst v63  }
0x10: {  	_ =	swait.ge [sflag:s10], $0x2780  }
0x11: {  	[sflag:s10] =	ssyncset.done $0x0  }
0x12: {  	[sflag:s10] =	ssyncadd.s32 $0xFFFFD880  }
0x13: {  	[tilespmem:s11], [sflag:$0x2] =	stream.linear.gather [hbm4b:s6+s3], $0x2780, $0x38;
	[tilespmem:$0x10F00] =	vst v63  }
0x14: {  	_ =	swait.ge [sflag:s10], $0x2780  }
0x15: {  	[sflag:s10] =	ssyncset.done $0x0  }
0x16: {  	[sflag:s10] =	ssyncadd.s32 $0xFFFFD880  }
0x17: {  	[spmem:s13], [sflag:s12] =	dma.local [hbm:s7], $0x1400  }
0x18: {  	_ =	swait.ge [sflag:s10], $0x1400  }
0x19: {  	[sflag:s10] =	ssyncset.done $0x0  }
0x1a: {  	[sflag:s10] =	ssyncadd.s32 $0xFFFFEC00  }
0x1b: {  	s18 =	simm.s32 $0x0;
	[bflag:$0x0] =	sbarrier.arrive $0xFFFF  }
0x1c: {  	[tilespmem:s15], [sflag:$0x1] =	stream.indirect.gather [hbm4b:s4+s14], $0x40, s18, s14, $0xb8;
	[tilespmem:$0x10F00] =	vst v63  }
0x1d: {  	_ =	swait.ge [sflag:s16], $0x2000  }
0x1e: {  	[sflag:s16] =	ssyncset.done $0x0  }
0x1f: {  	s31 =	simm.s32 $0x2780;
	[sflag:s16] =	ssyncadd.s32 $0xFFFFE000  }
0x20: {  	[spmem:s2] =	stream.indirect.scatter.add.f32 [tilespmem:s15], [sflag:$0x2], $0x40, s31, s14, $0xb8;
	[tilespmem:$0x10F00] =	vst v63  }
0x21: {  	_ =	swait.ge [sflag:s10], $0x2000  }
0x22: {  	s19 =	simm.s32 $0x400;
	s18 =	simm.s32 $0x200;
	[sflag:s10] =	ssyncset.done $0x0  }
.LBB2_2:
0x23: {  	s20 =	sshra.s32 s18, $0x2  }
0x24: {  	[sflag:s10] =	ssyncadd.s32 $0xFFFFE000;
	s18 =	smov.u32 s19;
	s21 =	sadd.s32 $0x200, s19  }
0x25: {  	[tilespmem:s15], [sflag:$0x1] =	stream.indirect.gather [hbm4b:s4+s14], $0x40, s20, s14, $0xb8;
	[tilespmem:$0x10F00] =	vst v63  }
0x26: {  	p0 =	sne.s32 s19, $0x9C00;
	_ =	swait.ge [sflag:s16], $0x2000  }
.Ltmp0:
0x27: {  	[sflag:s16] =	ssyncset.done $0x0;
	(pc) =	sbr.rel @p0 .LBB2_2-.Ltmp0, $4  }
0x28: {  	s19 =	sadd.s32 $0x2780, s20;
	[sflag:s16] =	ssyncadd.s32 $0xFFFFE000  }
0x29: {  	[spmem:s2] =	stream.indirect.scatter.add.f32 [tilespmem:s15], [sflag:$0x2], $0x40, s19, s14, $0xb8;
	[tilespmem:$0x10F00] =	vst v63  }
0x2a: {  	_ =	swait.ge [sflag:s10], $0x2000  }
0x2b: {  	s19 =	smov.u32 s21;
	[sflag:s10] =	ssyncset.done $0x0  }
0x2c: {  	s18 =	sshra.s32 s18, $0x2;
	[sflag:s10] =	ssyncadd.s32 $0xFFFFE000  }
0x2d: {  	[tilespmem:s15], [sflag:$0x1] =	stream.indirect.gather [hbm4b:s4+s14], $0x40, s18, s14, $0xb8;
	[tilespmem:$0x10F00] =	vst v63  }
0x2e: {  	_ =	swait.ge [sflag:s16], $0x2000  }
0x2f: {  	[sflag:s16] =	ssyncset.done $0x0  }
0x30: {  	s18 =	sadd.s32 $0x2780, s18;
	[sflag:s16] =	ssyncadd.s32 $0xFFFFE000  }
0x31: {  	[spmem:s2] =	stream.indirect.scatter.add.f32 [tilespmem:s15], [sflag:$0x2], $0x40, s18, s14, $0xb8;
	[tilespmem:$0x10F00] =	vst v63  }
0x32: {  	_ =	swait.ge [sflag:s10], $0x2000  }
0x33: {  	s17 =	sadd.s32 $0x1, s17;
	[sflag:s10] =	ssyncset.done $0x0  }
0x34: {  	p0 =	sne.s32 s17, s9;
	[sflag:s10] =	ssyncadd.s32 $0xFFFFE000  }
.Ltmp1:
0x35: {  	[bflag:$0x0] =	sbarrier.arrive $0xFFFF;
	(pc) =	sbr.rel @p0 .LBB2_1-.Ltmp1, $4  }
0x36: {  	[hbm:s8], [sflag:s12] =	dma.local [spmem:s13], $0x1400  }
0x37: {  	_ =	swait.ge [sflag:s10], $0x1400  }
0x38: {  	[sflag:s10] =	ssyncset.done $0x0  }
0x39: {  	[sflag:s10] =	ssyncadd.s32 $0xFFFFEC00  }
0x3a: {  	_ =	sfence.sel $0x180000  }
0x3b: {  	[bflag:$0x0] =	sbarrier.arrive $0xFFFF  }
0x3c: {  	p0 =	sne.s32 s0, $0x0;
	_ =	strace $0x9000004D  }
0x3d: {  	s0 =	sadd.s32 @!p0 $0x100000, s1;
	[bflag:$0x2] =	sbarrier.arrive $0xFFFF  }
0x3e: {  	[sflag:s0] =	ssyncadd.tile.s32 @!p0 $0x1;
	_ =	shalt  }
.Lfunc_end2:
_tile_overlayer_lowered:
.L_overlay_start_2:
0x3f: {  	(tag) =	ssettag $0x2  }
0x40: {  	s0 =	rddreg [dreg:$0x0];
	s2 =	stileid.u32  }
0x41: {  	s1 =	rddreg [dreg:$0x1];
	p0 =	sne.s32 s2, $0x0  }
0x42: {  	s3 =	rddreg [dreg:$0x2];
	[bflag:$0x3] =	sbarrier.arrive $0xFFFF;
	s2 =	simm.s32 @!p0 $0x1C02  }
0x43: {  	[timem:s3], [sflag:s2] =	dma.local @!p0 [hbm:s0], s1  }
0x44: {  	s0 =	simm.s32 @!p0 $0x2  }
0x45: {  	_ =	swait.ge @!p0 [sflag:s0], s1  }
0x46: {  	s1 =	ssub.s32 @!p0 $0x0, s1;
	[sflag:s0] =	ssyncset.done @!p0 $0x0  }
0x47: {  	[sflag:s0] =	ssyncadd.s32 @!p0 s1  }
0x48: {  	[bflag:$0x3] =	sbarrier.arrive $0xFFFF  }
0x49: {  	_ =	shalt  }

// kernel: kernel.21.cloned.1.call-start
scs
__scs_entry_jumppad:
0x0: {  	(pc) =	sbr.rel $0x88, $3  }
0x1: {  	(tag) =	ssettag $0x0;
	lr =	simm.s32 $0x1  }
0x2: {  	[smem:$0x3F97] =	sst lr;
	_ =	strace $0xD0000000  }
0x3: {  	_ = 	snop  }
0x4: {  	_ = 	snop  }
0x5: {  	_ = 	snop  }
0x6: {  	_ = 	snop  }
0x7: {  	_ = 	snop  }
__scs_overlays_trampoline_lowered:
0x8: {  	[smem:$0x3FA6] =	sst s0  }
0x9: {  	[smem:$0x3FA7] =	sst s1  }
0xa: {  	[smem:$0x3FA8] =	sst s2  }
0xb: {  	[smem:$0x3FA9] =	sst s3  }
0xc: {  	[smem:$0x3FAA] =	sst s4  }
0xd: {  	[smem:$0x3FAB] =	sst s5  }
0xe: {  	[smem:$0x3FAC] =	sst s6  }
0xf: {  	[smem:$0x3FAD] =	sst s7  }
0x10: {  	[smem:$0x3FAE] =	sst s8  }
0x11: {  	[smem:$0x3FAF] =	sst s9;
	s0 =	simm.s32 @!p0 $0x0  }
0x12: {  	s1 =	sld [smem:$0x3F95];
	s0 =	simm.s32 @p0 $0x1  }
0x13: {  	[smem:$0x3FB0] =	sst s0;
	s0 =	simm.s32 @!p1 $0x0  }
0x14: {  	s2 =	sld [smem:$0x3F94];
	s0 =	simm.s32 @p1 $0x1  }
0x15: {  	[smem:$0x3FB1] =	sst s0;
	s0 =	simm.s32 @!p2 $0x0  }
0x16: {  	s3 =	sld [smem:$0x3FDB];
	s0 =	simm.s32 @p2 $0x1  }
0x17: {  	s4 =	simm.s32 $0x1BF5;
	[smem:$0x3FB3] =	sst s0  }
0x18: {  	s0 =	sld [smem:$0x3F96];
	_ =	swait.ge [sflag:s4], $0x0  }
0x19: {  	s7 =	sld [smem:$0x3F97]  }
0x1a: {  	s8 =	sadd.s32 $0xFFFFE003, lr  }
0x1b: {  	s9 =	sadd.s32 $0xFFFFFEF7, lr;
	s5 =	simm.s32 $0xFFFFFFFF;
	p2 =	slt.u32 s8, $0xFFFFF086  }
0x1c: {  	p1 =	slt.u32 s9, $0xF7A;
	s5 =	simm.s32 @!p2 $0x0  }
0x1d: {  	s5 =	simm.s32 @p1 $0x1;
	p0 =	seq.s32 s7, s2  }
0x1e: {  	s7 =	smul.u32 @!p0 $0xF7A, s2;
	p2 =	seq.s32 @!p0 s5, $0x0  }
0x1f: {  	s9 =	smul.u32 $0xF7A, s1;
	s8 =	simm.s32 @!p0 $0x1BF5;
	p2 =	por !p2, p0  }
0x20: {  	[sflag:s8] =	ssyncset.s32 @!p0 $0xFFFFF086;
	s6 =	sadd.s32 @!p0 s3, s7;
	s7 =	simm.s32 @!p0 $0x108  }
0x21: {  	s3 =	sadd.s32 s3, s9;
	s6 =	sadd.s32 @!p0 $0x88, s6;
	s7 =	simm.s32 @p2 $0x1082  }
0x22: {  	[simem:s7], [sflag:s8] =	dma.local @!p0 [hbm:s6], $0xF7A  }
0x23: {  	s9 =	sor.u32 $0xD0000000, s2;
	s6 =	simm.s32 $0x108;
	_ =	swait.ge @!p0 [sflag:s8], $0x0  }
0x24: {  	s3 =	sadd.s32 $0x88, s3;
	s6 =	simm.s32 @!p1 $0x1082;
	[sflag:s4] =	ssyncset.s32 $0xFFFFF086  }
0x25: {  	[simem:s6], [sflag:s4] =	dma.local [hbm:s3], $0xF7A  }
0x26: {  	[smem:$0x3F97] =	sst s1;
	(tag) =	ssettag s2;
	_ =	strace s9  }
0x27: {  	s1 =	sld [smem:$0x3FA7]  }
0x28: {  	s2 =	sld [smem:$0x3FA8]  }
0x29: {  	s4 =	sld [smem:$0x3FAA]  }
0x2a: {  	p0 =	seq.s32 s5, $0x0;
	s5 =	sld [smem:$0x3FAB]  }
0x2b: {  	s6 =	sld [smem:$0x3FAC]  }
0x2c: {  	s7 =	sld [smem:$0x3FAD]  }
0x2d: {  	s3 =	simm.s32 $0x108;
	s8 =	sld [smem:$0x3FAE]  }
0x2e: {  	s3 =	simm.s32 @!p0 $0x1082;
	s9 =	sld [smem:$0x3FAF]  }
0x2f: {  	lr =	sadd.s32 s0, s3;
	s0 =	sld [smem:$0x3FA6]  }
0x30: {  	s3 =	sld [smem:$0x3FA9]  }
0x31: {  	[smem:$0x3FB2] =	sst s10  }
0x32: {  	s10 =	sld [smem:$0x3FB0];
	_ =	sdelay $0x3  }
0x33: {  	p0 =	seq.s32 s10, $0x1;
	s10 =	sld [smem:$0x3FB2];
	_ =	sdelay $0x3  }
0x34: {  	[smem:$0x3FB2] =	sst s10  }
0x35: {  	s10 =	sld [smem:$0x3FB1];
	_ =	sdelay $0x3  }
0x36: {  	p1 =	seq.s32 s10, $0x1;
	s10 =	sld [smem:$0x3FB2];
	_ =	sdelay $0x3  }
0x37: {  	[smem:$0x3FB2] =	sst s10  }
0x38: {  	s10 =	sld [smem:$0x3FB3]  }
0x39: {  	_ = 	snop;
	(pc) =	sbr.ind lr, $3  }
0x3a: {  	_ = 	snop  }
0x3b: {  	_ = 	snop  }
0x3c: {  	p2 =	seq.s32 s10, $0x1;
	s10 =	sld [smem:$0x3FB2]  }
0x3d: {  	_ =	shalt  }
0x3e: {  	_ =	shalt  }
0x3f: {  	_ =	shalt  }
0x40: {  	_ =	shalt  }
0x41: {  	_ =	shalt  }
0x42: {  	_ =	shalt  }
0x43: {  	_ =	shalt  }
0x44: {  	_ =	shalt  }
0x45: {  	_ =	shalt  }
0x46: {  	_ =	shalt  }
0x47: {  	_ =	shalt  }
0x48: {  	_ =	shalt  }
0x49: {  	_ =	shalt  }
0x4a: {  	_ =	shalt  }
0x4b: {  	_ =	shalt  }
0x4c: {  	_ =	shalt  }
0x4d: {  	_ =	shalt  }
0x4e: {  	_ =	shalt  }
0x4f: {  	_ =	shalt  }
0x50: {  	_ =	shalt  }
0x51: {  	_ =	shalt  }
0x52: {  	_ =	shalt  }
0x53: {  	_ =	shalt  }
0x54: {  	_ =	shalt  }
0x55: {  	_ =	shalt  }
0x56: {  	_ =	shalt  }
0x57: {  	_ =	shalt  }
0x58: {  	_ =	shalt  }
0x59: {  	_ =	shalt  }
0x5a: {  	_ =	shalt  }
0x5b: {  	_ =	shalt  }
0x5c: {  	_ =	shalt  }
0x5d: {  	_ =	shalt  }
0x5e: {  	_ =	shalt  }
0x5f: {  	_ =	shalt  }
0x60: {  	_ =	shalt  }
0x61: {  	_ =	shalt  }
0x62: {  	_ =	shalt  }
0x63: {  	_ =	shalt  }
0x64: {  	_ =	shalt  }
0x65: {  	_ =	shalt  }
0x66: {  	_ =	shalt  }
0x67: {  	_ =	shalt  }
0x68: {  	_ =	shalt  }
0x69: {  	_ =	shalt  }
0x6a: {  	_ =	shalt  }
0x6b: {  	_ =	shalt  }
0x6c: {  	_ =	shalt  }
0x6d: {  	_ =	shalt  }
0x6e: {  	_ =	shalt  }
0x6f: {  	_ =	shalt  }
0x70: {  	_ =	shalt  }
0x71: {  	_ =	shalt  }
0x72: {  	_ =	shalt  }
0x73: {  	_ =	shalt  }
0x74: {  	_ =	shalt  }
0x75: {  	_ =	shalt  }
0x76: {  	_ =	shalt  }
0x77: {  	_ =	shalt  }
0x78: {  	_ =	shalt  }
0x79: {  	_ =	shalt  }
0x7a: {  	_ =	shalt  }
0x7b: {  	_ =	shalt  }
0x7c: {  	_ =	shalt  }
0x7d: {  	_ =	shalt  }
0x7e: {  	_ =	shalt  }
0x7f: {  	_ =	shalt  }
0x80: {  	_ =	shalt  }
0x81: {  	_ =	shalt  }
0x82: {  	_ =	shalt  }
0x83: {  	_ =	shalt  }
0x84: {  	_ =	shalt  }
0x85: {  	_ =	shalt  }
0x86: {  	_ =	shalt  }
0x87: {  	_ =	shalt  }
.Lfunc_end0:
.L_simem_size_0:
called_computation.3_lowered:
.L_overlay_start_0:
0x88: {  	s2 =	sld [smem:$0x3FD9]  }
0x89: {  	s3 =	sld [smem:$0x3FFE];
	_ =	sdelay $0x1  }
0x8a: {  	s1 =	srdreg.scid  }
0x8b: {  	s0 =	sand.u32 $0x1, s1  }
0x8c: {  	s16 =	sshll.u32 s0, $0xA;
	s2 =	sadd.s32 s3, s2  }
0x8d: {  	s2 =	sadd.s32 s2, s16  }
0x8e: {  	[smem:$0x3FBE] =	sst s2  }
0x8f: {  	_ = 	snop  }
0x90: {  	(tm) =	ssettm $0x1  }
0x91: {  	s17 =	sld [smem:$0x3FFB];
	_ =	sdelay $0x3  }
0x92: {  	_ =	strace s17  }
0x93: {  	s2 =	sld [smem:$0x3FFC];
	_ =	sdelay $0x3  }
0x94: {  	_ =	strace s2  }
0x95: {  	s2 =	sld [smem:$0x3FFD];
	_ =	sdelay $0x3  }
0x96: {  	_ =	strace s2  }
0x97: {  	_ =	strace $0x8FFFFFFF  }
0x98: {  	s18 =	sld [smem:$0x3FDB];
	_ =	sdelay $0x1  }
0x99: {  	s19 =	simm.s32 $_scs_section_size  }
0x9a: {  	s4 =	simm.s32 $_size__tile_overlayer_lowered;
	s5 =	simm.s32 $_tile_overlayer_lowered  }
0x9b: {  	s22 =	simm.s32 $0x1BFF;
	s21 =	sshll.u32 s5, $0x1;
	s2 =	sadd.s32 s19, s18  }
0x9c: {  	s6 =	simm.s32 $0x0;
	s20 =	sshll.u32 s4, $0x1;
	s4 =	sadd.s32 s21, s2  }
0x9d: {  	[timem:s6], [sflag:s22] =	dma.local [hbm:s4], s20  }
0x9e: {  	_ =	swait.ge [sflag:s22], s20  }
0x9f: {  	s3 =	ssub.s32 $0x0, s20;
	[sflag:s22] =	ssyncset.done $0x0  }
0xa0: {  	[sflag:s22] =	ssyncadd.s32 s3;
	_ =	sdelay $0x1  }
0xa1: {  	s23 =	simm.s32 $0x1B8B  }
0xa2: {  	_ =	swait.ge [sflag:s23], $0x1  }
0xa3: {  	[sflag:s23] =	ssyncset.done $0x0  }
0xa4: {  	s25 =	simm.s32 $0x1B8E;
	s24 =	sld [smem:$0x3FFE];
	[sflag:s23] =	ssyncadd.s32 $0xFFFFFFFF  }
0xa5: {  	s26 =	simm.s32 $execute0_lowered;
	[smem:$0x3FD2] =	sst s25  }
0xa6: {  	s4 =	sshll.u32 s26, $0x1;
	_ =	strace $0x8000004F;
	[dreg:$0x1] =	wrdreg $0xFFFFFFFF  }
0xa7: {  	s28 =	simm.s32 $_size_execute0_lowered;
	s2 =	sadd.s32 s2, s4;
	[dreg:$0x0] =	wrdreg $0x0  }
0xa8: {  	s4 =	sshll.u32 s28, $0x1;
	[dreg:$0x2] =	wrdreg s2  }
0xa9: {  	[dreg:$0x3] =	wrdreg s4  }
0xaa: {  	[dreg:$0x4] =	wrdreg $0xC0  }
0xab: {  	_ =	task [dreg:s6], $0x5FFFF  }
0xac: {  	[dreg:$0x1] =	wrdreg $0xFFFFFFFF  }
0xad: {  	[dreg:$0x0] =	wrdreg $0x60  }
0xae: {  	[dreg:$0x2] =	wrdreg s24  }
0xaf: {  	[dreg:$0x3] =	wrdreg $0x5F000  }
0xb0: {  	[dreg:$0x4] =	wrdreg $0x9  }
0xb1: {  	_ =	task.clear_ibuf [dreg:s6], $0x5FFFF;
	_ =	strace $0x9000004F  }
0xb2: {  	s29 =	simm.s32 $0x9;
	_ =	strace $0x80000051  }
0xb3: {  	_ =	swait.ge [sflag:s29], $0x1  }
0xb4: {  	[sflag:s29] =	ssyncadd.s32 $0xFFFFFFFF  }
0xb5: {  	_ =	strace $0x90000051  }
0xb6: {  	_ =	sfence  }
0xb7: {  	s30 =	sld [smem:$0x0];
	_ =	sdelay $0x2  }
0xb8: {  	s31 =	sshll.u32 s1, $0xD;
	s1 =	sshrl.u32 s1, $0x2  }
0xb9: {  	s3 =	sand.u32 $0x4000, s31;
	s1 =	sadd.s32 s1, s30  }
0xba: {  	s0 =	sor.u32 s3, s0;
	s1 =	sshll.u32 s1, $0x11  }
0xbb: {  	s0 =	sor.u32 s1, s0  }
0xbc: {  	s0 =	sadd.s32 $0x8F2B, s0  }
0xbd: {  	[sflag:s0] =	ssyncadd.remote.s32 $0x1  }
0xbe: {  	_ =	sfence.sel $0xFFFF  }
0xbf: {  	[dreg:$0x0] =	wrdreg $0xFFFFFFFF;
	(pc) =	sbr.abs _section_cstart, $3  }
0xc0: {  	[dreg:$0x1] =	wrdreg $0xFFFFFFFF  }
0xc1: {  	_ =	task.clear_ibuf [dreg:s6], $0x2FFFF;
	_ =	strace $0x9FFFFFFF  }
0xc2: {  	(tm) =	ssettm $0x7FFFFFFF  }
0xc3: {  	_ =	shalt  }
tec
execute0_lowered:
.L_overlay_start_1:
0x0: {  	(tag) =	ssettag $0x1  }
0x1: {  	s1 =	srdreg.scid  }
0x2: {  	s0 =	stileid.u32;
	s6 =	rddreg [dreg:$0x0]  }
0x3: {  	s2 =	rddreg [dreg:$0x1];
	s3 =	simm.s32 $0x0;
	s14 =	simm.s32 $0x80  }
0x4: {  	s15 =	simm.s32 $0x4F00;
	s16 =	simm.s32 $0x1;
	s17 =	simm.s32 $0x0  }
0x5: {  	s5 =	sand.u32 $0x1, s1;
	s31 =	sshll.u32 s0, $0x1;
	s8 =	smul.u32 $0x5000, s0  }
0x6: {  	[smem:$0x7FF] =	sst s3;
	s4 =	sadd.s32 $0x12000, s6;
	s12 =	sshll.u32 s0, $0x6  }
0x7: {  	s1 =	sor.u32 s5, s31;
	s9 =	smul.u32 $0x50000, s5;
	s5 =	ssub.s32 $0x2, s5  }
0x8: {  	s12 =	sor.u32 $0x1C02, s12;
	s7 =	smul.u32 $0x4F0, s1;
	s1 =	rddreg [dreg:$0x2]  }
0x9: {  	_ =	strace $0x80000050;
	s10 =	sshrl.u32 s8, $0x3;
	s11 =	sshrl.u32 s5, $0x1  }
0xa: {  	s13 =	sadd.s32 s8, s2;
	s9 =	sadd.s32 s8, s9;
	s10 =	sadd.s32 s10, s6  }
0xb: {  	s11 =	ssub.s32 s5, s11;
	s7 =	sadd.s32 s7, s6;
	s9 =	sshrl.u32 s9, $0x3  }
0xc: {  	s13 =	sshrl.u32 s13, $0x3;
	s9 =	sadd.s32 s9, s6;
	s5 =	sadd.s32 $0x1C000, s7  }
0xd: {  	s6 =	sadd.s32 $0x3200, s7;
	s7 =	sadd.s32 $0x75E00, s10;
	s10 =	simm.s32 $0x2  }
0xe: {  	s8 =	sadd.s32 $0x7FE00, s9;
	s9 =	smax.u32 s11, $0x1;
	s11 =	simm.s32 $0x2780  }
.LBB2_1:
0xf: {  	[tilespmem:s3], [sflag:$0x2] =	stream.linear.gather [hbm4b:s5+s3], $0x2780, $0x38;
	[tilespmem:$0xAF00] =	vst v63  }
0x10: {  	_ =	swait.ge [sflag:s10], $0x2780  }
0x11: {  	[sflag:s10] =	ssyncset.done $0x0  }
0x12: {  	[sflag:s10] =	ssyncadd.s32 $0xFFFFD880  }
0x13: {  	[tilespmem:s11], [sflag:$0x2] =	stream.linear.gather [hbm4b:s6+s3], $0x2780, $0x38;
	[tilespmem:$0xAF00] =	vst v63  }
0x14: {  	_ =	swait.ge [sflag:s10], $0x2780  }
0x15: {  	[sflag:s10] =	ssyncset.done $0x0  }
0x16: {  	[sflag:s10] =	ssyncadd.s32 $0xFFFFD880  }
0x17: {  	[spmem:s13], [sflag:s12] =	dma.local [hbm:s7], $0xA00  }
0x18: {  	_ =	swait.ge [sflag:s10], $0xA00  }
0x19: {  	[sflag:s10] =	ssyncset.done $0x0  }
0x1a: {  	[sflag:s10] =	ssyncadd.s32 $0xFFFFF600  }
0x1b: {  	s18 =	simm.s32 $0x0;
	[bflag:$0x0] =	sbarrier.arrive $0xFFFF  }
0x1c: {  	[tilespmem:s15], [sflag:$0x1] =	stream.indirect.gather [hbm4b:s4+s14], $0x20, s18, s14, $0xb8;
	[tilespmem:$0xAF00] =	vst v63  }
0x1d: {  	_ =	swait.ge [sflag:s16], $0x1000  }
0x1e: {  	[sflag:s16] =	ssyncset.done $0x0  }
0x1f: {  	s31 =	simm.s32 $0x2780;
	[sflag:s16] =	ssyncadd.s32 $0xFFFFF000  }
0x20: {  	[spmem:s2] =	stream.indirect.scatter.add.f32 [tilespmem:s15], [sflag:$0x2], $0x20, s31, s14, $0xb8;
	[tilespmem:$0xAF00] =	vst v63  }
0x21: {  	_ =	swait.ge [sflag:s10], $0x1000  }
0x22: {  	s19 =	simm.s32 $0x400;
	s18 =	simm.s32 $0x200;
	[sflag:s10] =	ssyncset.done $0x0  }
.LBB2_2:
0x23: {  	s20 =	sshra.s32 s18, $0x2  }
0x24: {  	[sflag:s10] =	ssyncadd.s32 $0xFFFFF000;
	s18 =	smov.u32 s19;
	s21 =	sadd.s32 $0x200, s19  }
0x25: {  	[tilespmem:s15], [sflag:$0x1] =	stream.indirect.gather [hbm4b:s4+s14], $0x20, s20, s14, $0xb8;
	[tilespmem:$0xAF00] =	vst v63  }
0x26: {  	p0 =	sne.s32 s19, $0x9C00;
	_ =	swait.ge [sflag:s16], $0x1000  }
.Ltmp0:
0x27: {  	[sflag:s16] =	ssyncset.done $0x0;
	(pc) =	sbr.rel @p0 .LBB2_2-.Ltmp0, $4  }
0x28: {  	s19 =	sadd.s32 $0x2780, s20;
	[sflag:s16] =	ssyncadd.s32 $0xFFFFF000  }
0x29: {  	[spmem:s2] =	stream.indirect.scatter.add.f32 [tilespmem:s15], [sflag:$0x2], $0x20, s19, s14, $0xb8;
	[tilespmem:$0xAF00] =	vst v63  }
0x2a: {  	_ =	swait.ge [sflag:s10], $0x1000  }
0x2b: {  	s19 =	smov.u32 s21;
	[sflag:s10] =	ssyncset.done $0x0  }
0x2c: {  	s18 =	sshra.s32 s18, $0x2;
	[sflag:s10] =	ssyncadd.s32 $0xFFFFF000  }
0x2d: {  	[tilespmem:s15], [sflag:$0x1] =	stream.indirect.gather [hbm4b:s4+s14], $0x20, s18, s14, $0xb8;
	[tilespmem:$0xAF00] =	vst v63  }
0x2e: {  	_ =	swait.ge [sflag:s16], $0x1000  }
0x2f: {  	[sflag:s16] =	ssyncset.done $0x0  }
0x30: {  	s18 =	sadd.s32 $0x2780, s18;
	[sflag:s16] =	ssyncadd.s32 $0xFFFFF000  }
0x31: {  	[spmem:s2] =	stream.indirect.scatter.add.f32 [tilespmem:s15], [sflag:$0x2], $0x20, s18, s14, $0xb8;
	[tilespmem:$0xAF00] =	vst v63  }
0x32: {  	_ =	swait.ge [sflag:s10], $0x1000  }
0x33: {  	s17 =	sadd.s32 $0x1, s17;
	[sflag:s10] =	ssyncset.done $0x0  }
0x34: {  	p0 =	sne.s32 s17, s9;
	[sflag:s10] =	ssyncadd.s32 $0xFFFFF000  }
.Ltmp1:
0x35: {  	[bflag:$0x0] =	sbarrier.arrive $0xFFFF;
	(pc) =	sbr.rel @p0 .LBB2_1-.Ltmp1, $4  }
0x36: {  	[hbm:s8], [sflag:s12] =	dma.local [spmem:s13], $0xA00  }
0x37: {  	_ =	swait.ge [sflag:s10], $0xA00  }
0x38: {  	[sflag:s10] =	ssyncset.done $0x0  }
0x39: {  	[sflag:s10] =	ssyncadd.s32 $0xFFFFF600  }
0x3a: {  	_ =	sfence.sel $0x180000  }
0x3b: {  	[bflag:$0x0] =	sbarrier.arrive $0xFFFF  }
0x3c: {  	p0 =	sne.s32 s0, $0x0;
	_ =	strace $0x90000050  }
0x3d: {  	s0 =	sadd.s32 @!p0 $0x100000, s1;
	[bflag:$0x2] =	sbarrier.arrive $0xFFFF  }
0x3e: {  	[sflag:s0] =	ssyncadd.tile.s32 @!p0 $0x1;
	_ =	shalt  }
.Lfunc_end2:
_tile_overlayer_lowered:
.L_overlay_start_2:
0x3f: {  	(tag) =	ssettag $0x2  }
0x40: {  	s0 =	rddreg [dreg:$0x0];
	s2 =	stileid.u32  }
0x41: {  	s1 =	rddreg [dreg:$0x1];
	p0 =	sne.s32 s2, $0x0  }
0x42: {  	s3 =	rddreg [dreg:$0x2];
	[bflag:$0x3] =	sbarrier.arrive $0xFFFF;
	s2 =	simm.s32 @!p0 $0x1C02  }
0x43: {  	[timem:s3], [sflag:s2] =	dma.local @!p0 [hbm:s0], s1  }
0x44: {  	s0 =	simm.s32 @!p0 $0x2  }
0x45: {  	_ =	swait.ge @!p0 [sflag:s0], s1  }
0x46: {  	s1 =	ssub.s32 @!p0 $0x0, s1;
	[sflag:s0] =	ssyncset.done @!p0 $0x0  }
0x47: {  	[sflag:s0] =	ssyncadd.s32 @!p0 s1  }
0x48: {  	[bflag:$0x3] =	sbarrier.arrive $0xFFFF  }
0x49: {  	_ =	shalt  }

// kernel: kernel.24.cloned.1.call-start
scs
__scs_entry_jumppad:
0x0: {  	(pc) =	sbr.rel $0x88, $3  }
0x1: {  	(tag) =	ssettag $0x0;
	lr =	simm.s32 $0x1  }
0x2: {  	[smem:$0x3F97] =	sst lr;
	_ =	strace $0xD0000000  }
0x3: {  	_ = 	snop  }
0x4: {  	_ = 	snop  }
0x5: {  	_ = 	snop  }
0x6: {  	_ = 	snop  }
0x7: {  	_ = 	snop  }
__scs_overlays_trampoline_lowered:
0x8: {  	[smem:$0x3FA6] =	sst s0  }
0x9: {  	[smem:$0x3FA7] =	sst s1  }
0xa: {  	[smem:$0x3FA8] =	sst s2  }
0xb: {  	[smem:$0x3FA9] =	sst s3  }
0xc: {  	[smem:$0x3FAA] =	sst s4  }
0xd: {  	[smem:$0x3FAB] =	sst s5  }
0xe: {  	[smem:$0x3FAC] =	sst s6  }
0xf: {  	[smem:$0x3FAD] =	sst s7  }
0x10: {  	[smem:$0x3FAE] =	sst s8  }
0x11: {  	[smem:$0x3FAF] =	sst s9;
	s0 =	simm.s32 @!p0 $0x0  }
0x12: {  	s1 =	sld [smem:$0x3F95];
	s0 =	simm.s32 @p0 $0x1  }
0x13: {  	[smem:$0x3FB0] =	sst s0;
	s0 =	simm.s32 @!p1 $0x0  }
0x14: {  	s2 =	sld [smem:$0x3F94];
	s0 =	simm.s32 @p1 $0x1  }
0x15: {  	[smem:$0x3FB1] =	sst s0;
	s0 =	simm.s32 @!p2 $0x0  }
0x16: {  	s3 =	sld [smem:$0x3FDB];
	s0 =	simm.s32 @p2 $0x1  }
0x17: {  	s4 =	simm.s32 $0x1BF5;
	[smem:$0x3FB3] =	sst s0  }
0x18: {  	s0 =	sld [smem:$0x3F96];
	_ =	swait.ge [sflag:s4], $0x0  }
0x19: {  	s7 =	sld [smem:$0x3F97]  }
0x1a: {  	s8 =	sadd.s32 $0xFFFFE003, lr  }
0x1b: {  	s9 =	sadd.s32 $0xFFFFFEF7, lr;
	s5 =	simm.s32 $0xFFFFFFFF;
	p2 =	slt.u32 s8, $0xFFFFF086  }
0x1c: {  	p1 =	slt.u32 s9, $0xF7A;
	s5 =	simm.s32 @!p2 $0x0  }
0x1d: {  	s5 =	simm.s32 @p1 $0x1;
	p0 =	seq.s32 s7, s2  }
0x1e: {  	s7 =	smul.u32 @!p0 $0xF7A, s2;
	p2 =	seq.s32 @!p0 s5, $0x0  }
0x1f: {  	s9 =	smul.u32 $0xF7A, s1;
	s8 =	simm.s32 @!p0 $0x1BF5;
	p2 =	por !p2, p0  }
0x20: {  	[sflag:s8] =	ssyncset.s32 @!p0 $0xFFFFF086;
	s6 =	sadd.s32 @!p0 s3, s7;
	s7 =	simm.s32 @!p0 $0x108  }
0x21: {  	s3 =	sadd.s32 s3, s9;
	s6 =	sadd.s32 @!p0 $0x88, s6;
	s7 =	simm.s32 @p2 $0x1082  }
0x22: {  	[simem:s7], [sflag:s8] =	dma.local @!p0 [hbm:s6], $0xF7A  }
0x23: {  	s9 =	sor.u32 $0xD0000000, s2;
	s6 =	simm.s32 $0x108;
	_ =	swait.ge @!p0 [sflag:s8], $0x0  }
0x24: {  	s3 =	sadd.s32 $0x88, s3;
	s6 =	simm.s32 @!p1 $0x1082;
	[sflag:s4] =	ssyncset.s32 $0xFFFFF086  }
0x25: {  	[simem:s6], [sflag:s4] =	dma.local [hbm:s3], $0xF7A  }
0x26: {  	[smem:$0x3F97] =	sst s1;
	(tag) =	ssettag s2;
	_ =	strace s9  }
0x27: {  	s1 =	sld [smem:$0x3FA7]  }
0x28: {  	s2 =	sld [smem:$0x3FA8]  }
0x29: {  	s4 =	sld [smem:$0x3FAA]  }
0x2a: {  	p0 =	seq.s32 s5, $0x0;
	s5 =	sld [smem:$0x3FAB]  }
0x2b: {  	s6 =	sld [smem:$0x3FAC]  }
0x2c: {  	s7 =	sld [smem:$0x3FAD]  }
0x2d: {  	s3 =	simm.s32 $0x108;
	s8 =	sld [smem:$0x3FAE]  }
0x2e: {  	s3 =	simm.s32 @!p0 $0x1082;
	s9 =	sld [smem:$0x3FAF]  }
0x2f: {  	lr =	sadd.s32 s0, s3;
	s0 =	sld [smem:$0x3FA6]  }
0x30: {  	s3 =	sld [smem:$0x3FA9]  }
0x31: {  	[smem:$0x3FB2] =	sst s10  }
0x32: {  	s10 =	sld [smem:$0x3FB0];
	_ =	sdelay $0x3  }
0x33: {  	p0 =	seq.s32 s10, $0x1;
	s10 =	sld [smem:$0x3FB2];
	_ =	sdelay $0x3  }
0x34: {  	[smem:$0x3FB2] =	sst s10  }
0x35: {  	s10 =	sld [smem:$0x3FB1];
	_ =	sdelay $0x3  }
0x36: {  	p1 =	seq.s32 s10, $0x1;
	s10 =	sld [smem:$0x3FB2];
	_ =	sdelay $0x3  }
0x37: {  	[smem:$0x3FB2] =	sst s10  }
0x38: {  	s10 =	sld [smem:$0x3FB3]  }
0x39: {  	_ = 	snop;
	(pc) =	sbr.ind lr, $3  }
0x3a: {  	_ = 	snop  }
0x3b: {  	_ = 	snop  }
0x3c: {  	p2 =	seq.s32 s10, $0x1;
	s10 =	sld [smem:$0x3FB2]  }
0x3d: {  	_ =	shalt  }
0x3e: {  	_ =	shalt  }
0x3f: {  	_ =	shalt  }
0x40: {  	_ =	shalt  }
0x41: {  	_ =	shalt  }
0x42: {  	_ =	shalt  }
0x43: {  	_ =	shalt  }
0x44: {  	_ =	shalt  }
0x45: {  	_ =	shalt  }
0x46: {  	_ =	shalt  }
0x47: {  	_ =	shalt  }
0x48: {  	_ =	shalt  }
0x49: {  	_ =	shalt  }
0x4a: {  	_ =	shalt  }
0x4b: {  	_ =	shalt  }
0x4c: {  	_ =	shalt  }
0x4d: {  	_ =	shalt  }
0x4e: {  	_ =	shalt  }
0x4f: {  	_ =	shalt  }
0x50: {  	_ =	shalt  }
0x51: {  	_ =	shalt  }
0x52: {  	_ =	shalt  }
0x53: {  	_ =	shalt  }
0x54: {  	_ =	shalt  }
0x55: {  	_ =	shalt  }
0x56: {  	_ =	shalt  }
0x57: {  	_ =	shalt  }
0x58: {  	_ =	shalt  }
0x59: {  	_ =	shalt  }
0x5a: {  	_ =	shalt  }
0x5b: {  	_ =	shalt  }
0x5c: {  	_ =	shalt  }
0x5d: {  	_ =	shalt  }
0x5e: {  	_ =	shalt  }
0x5f: {  	_ =	shalt  }
0x60: {  	_ =	shalt  }
0x61: {  	_ =	shalt  }
0x62: {  	_ =	shalt  }
0x63: {  	_ =	shalt  }
0x64: {  	_ =	shalt  }
0x65: {  	_ =	shalt  }
0x66: {  	_ =	shalt  }
0x67: {  	_ =	shalt  }
0x68: {  	_ =	shalt  }
0x69: {  	_ =	shalt  }
0x6a: {  	_ =	shalt  }
0x6b: {  	_ =	shalt  }
0x6c: {  	_ =	shalt  }
0x6d: {  	_ =	shalt  }
0x6e: {  	_ =	shalt  }
0x6f: {  	_ =	shalt  }
0x70: {  	_ =	shalt  }
0x71: {  	_ =	shalt  }
0x72: {  	_ =	shalt  }
0x73: {  	_ =	shalt  }
0x74: {  	_ =	shalt  }
0x75: {  	_ =	shalt  }
0x76: {  	_ =	shalt  }
0x77: {  	_ =	shalt  }
0x78: {  	_ =	shalt  }
0x79: {  	_ =	shalt  }
0x7a: {  	_ =	shalt  }
0x7b: {  	_ =	shalt  }
0x7c: {  	_ =	shalt  }
0x7d: {  	_ =	shalt  }
0x7e: {  	_ =	shalt  }
0x7f: {  	_ =	shalt  }
0x80: {  	_ =	shalt  }
0x81: {  	_ =	shalt  }
0x82: {  	_ =	shalt  }
0x83: {  	_ =	shalt  }
0x84: {  	_ =	shalt  }
0x85: {  	_ =	shalt  }
0x86: {  	_ =	shalt  }
0x87: {  	_ =	shalt  }
.Lfunc_end0:
.L_simem_size_0:
called_computation.4_lowered:
.L_overlay_start_0:
0x88: {  	s2 =	sld [smem:$0x3FD9]  }
0x89: {  	s3 =	sld [smem:$0x3FFE];
	_ =	sdelay $0x1  }
0x8a: {  	s1 =	srdreg.scid  }
0x8b: {  	s0 =	sand.u32 $0x1, s1  }
0x8c: {  	s16 =	sshll.u32 s0, $0xA;
	s2 =	sadd.s32 s3, s2  }
0x8d: {  	s2 =	sadd.s32 s2, s16  }
0x8e: {  	[smem:$0x3FBE] =	sst s2  }
0x8f: {  	_ = 	snop  }
0x90: {  	(tm) =	ssettm $0x1  }
0x91: {  	s17 =	sld [smem:$0x3FFB];
	_ =	sdelay $0x3  }
0x92: {  	_ =	strace s17  }
0x93: {  	s2 =	sld [smem:$0x3FFC];
	_ =	sdelay $0x3  }
0x94: {  	_ =	strace s2  }
0x95: {  	s2 =	sld [smem:$0x3FFD];
	_ =	sdelay $0x3  }
0x96: {  	_ =	strace s2  }
0x97: {  	_ =	strace $0x8FFFFFFF  }
0x98: {  	s18 =	sld [smem:$0x3FDB];
	_ =	sdelay $0x1  }
0x99: {  	s19 =	simm.s32 $_scs_section_size  }
0x9a: {  	s4 =	simm.s32 $_size__tile_overlayer_lowered;
	s5 =	simm.s32 $_tile_overlayer_lowered  }
0x9b: {  	s22 =	simm.s32 $0x1BFF;
	s21 =	sshll.u32 s5, $0x1;
	s2 =	sadd.s32 s19, s18  }
0x9c: {  	s6 =	simm.s32 $0x0;
	s20 =	sshll.u32 s4, $0x1;
	s4 =	sadd.s32 s21, s2  }
0x9d: {  	[timem:s6], [sflag:s22] =	dma.local [hbm:s4], s20  }
0x9e: {  	_ =	swait.ge [sflag:s22], s20  }
0x9f: {  	s3 =	ssub.s32 $0x0, s20;
	[sflag:s22] =	ssyncset.done $0x0  }
0xa0: {  	[sflag:s22] =	ssyncadd.s32 s3;
	_ =	sdelay $0x1  }
0xa1: {  	s23 =	simm.s32 $0x1B8B  }
0xa2: {  	_ =	swait.ge [sflag:s23], $0x1  }
0xa3: {  	[sflag:s23] =	ssyncset.done $0x0  }
0xa4: {  	s25 =	simm.s32 $0x1B8E;
	s24 =	sld [smem:$0x3FFE];
	[sflag:s23] =	ssyncadd.s32 $0xFFFFFFFF  }
0xa5: {  	s26 =	simm.s32 $execute0_lowered;
	[smem:$0x3FD2] =	sst s25  }
0xa6: {  	s4 =	sshll.u32 s26, $0x1;
	_ =	strace $0x80000052;
	[dreg:$0x1] =	wrdreg $0xFFFFFFFF  }
0xa7: {  	s28 =	simm.s32 $_size_execute0_lowered;
	s2 =	sadd.s32 s2, s4;
	[dreg:$0x0] =	wrdreg $0x0  }
0xa8: {  	s4 =	sshll.u32 s28, $0x1;
	[dreg:$0x2] =	wrdreg s2  }
0xa9: {  	[dreg:$0x3] =	wrdreg s4  }
0xaa: {  	[dreg:$0x4] =	wrdreg $0xC0  }
0xab: {  	_ =	task [dreg:s6], $0x5FFFF  }
0xac: {  	[dreg:$0x1] =	wrdreg $0xFFFFFFFF  }
0xad: {  	[dreg:$0x0] =	wrdreg $0x60  }
0xae: {  	[dreg:$0x2] =	wrdreg s24  }
0xaf: {  	[dreg:$0x3] =	wrdreg $0x57000  }
0xb0: {  	[dreg:$0x4] =	wrdreg $0x9  }
0xb1: {  	_ =	task.clear_ibuf [dreg:s6], $0x5FFFF;
	_ =	strace $0x90000052  }
0xb2: {  	s29 =	simm.s32 $0x9;
	_ =	strace $0x80000054  }
0xb3: {  	_ =	swait.ge [sflag:s29], $0x1  }
0xb4: {  	[sflag:s29] =	ssyncadd.s32 $0xFFFFFFFF  }
0xb5: {  	_ =	strace $0x90000054  }
0xb6: {  	_ =	sfence  }
0xb7: {  	s30 =	sld [smem:$0x0];
	_ =	sdelay $0x2  }
0xb8: {  	s31 =	sshll.u32 s1, $0xD;
	s1 =	sshrl.u32 s1, $0x2  }
0xb9: {  	s3 =	sand.u32 $0x4000, s31;
	s1 =	sadd.s32 s1, s30  }
0xba: {  	s0 =	sor.u32 s3, s0;
	s1 =	sshll.u32 s1, $0x11  }
0xbb: {  	s0 =	sor.u32 s1, s0  }
0xbc: {  	s0 =	sadd.s32 $0x8F2B, s0  }
0xbd: {  	[sflag:s0] =	ssyncadd.remote.s32 $0x1  }
0xbe: {  	_ =	sfence.sel $0xFFFF  }
0xbf: {  	[dreg:$0x0] =	wrdreg $0xFFFFFFFF;
	(pc) =	sbr.abs _section_cstart, $3  }
0xc0: {  	[dreg:$0x1] =	wrdreg $0xFFFFFFFF  }
0xc1: {  	_ =	task.clear_ibuf [dreg:s6], $0x2FFFF;
	_ =	strace $0x9FFFFFFF  }
0xc2: {  	(tm) =	ssettm $0x7FFFFFFF  }
0xc3: {  	_ =	shalt  }
tec
execute0_lowered:
.L_overlay_start_1:
0x0: {  	(tag) =	ssettag $0x1  }
0x1: {  	s1 =	srdreg.scid  }
0x2: {  	s0 =	stileid.u32;
	s6 =	rddreg [dreg:$0x0]  }
0x3: {  	s2 =	rddreg [dreg:$0x1];
	s3 =	simm.s32 $0x0;
	s14 =	simm.s32 $0x80  }
0x4: {  	s15 =	simm.s32 $0x4F00;
	s16 =	simm.s32 $0x1;
	s17 =	simm.s32 $0x0  }
0x5: {  	s5 =	sand.u32 $0x1, s1;
	s31 =	sshll.u32 s0, $0x1;
	s8 =	smul.u32 $0x2800, s0  }
0x6: {  	[smem:$0x7FF] =	sst s3;
	s4 =	sadd.s32 $0x12000, s6;
	s12 =	sshll.u32 s0, $0x6  }
0x7: {  	s1 =	sor.u32 s5, s31;
	s9 =	smul.u32 $0x28000, s5;
	s5 =	ssub.s32 $0x2, s5  }
0x8: {  	s12 =	sor.u32 $0x1C02, s12;
	s7 =	smul.u32 $0x4F0, s1;
	s1 =	rddreg [dreg:$0x2]  }
0x9: {  	_ =	strace $0x80000053;
	s10 =	sshrl.u32 s8, $0x3;
	s11 =	sshrl.u32 s5, $0x1  }
0xa: {  	s13 =	sadd.s32 s8, s2;
	s9 =	sadd.s32 s8, s9;
	s10 =	sadd.s32 s10, s6  }
0xb: {  	s11 =	ssub.s32 s5, s11;
	s7 =	sadd.s32 s7, s6;
	s9 =	sshrl.u32 s9, $0x3  }
0xc: {  	s13 =	sshrl.u32 s13, $0x3;
	s9 =	sadd.s32 s9, s6;
	s5 =	sadd.s32 $0x1C000, s7  }
0xd: {  	s6 =	sadd.s32 $0x3200, s7;
	s7 =	sadd.s32 $0xD000, s10;
	s10 =	simm.s32 $0x2  }
0xe: {  	s8 =	sadd.s32 $0x75E00, s9;
	s9 =	smax.u32 s11, $0x1;
	s11 =	simm.s32 $0x2780  }
.LBB2_1:
0xf: {  	[tilespmem:s3], [sflag:$0x2] =	stream.linear.gather [hbm4b:s5+s3], $0x2780, $0x38;
	[tilespmem:$0x7F00] =	vst v63  }
0x10: {  	_ =	swait.ge [sflag:s10], $0x2780  }
0x11: {  	[sflag:s10] =	ssyncset.done $0x0  }
0x12: {  	[sflag:s10] =	ssyncadd.s32 $0xFFFFD880  }
0x13: {  	[tilespmem:s11], [sflag:$0x2] =	stream.linear.gather [hbm4b:s6+s3], $0x2780, $0x38;
	[tilespmem:$0x7F00] =	vst v63  }
0x14: {  	_ =	swait.ge [sflag:s10], $0x2780  }
0x15: {  	[sflag:s10] =	ssyncset.done $0x0  }
0x16: {  	[sflag:s10] =	ssyncadd.s32 $0xFFFFD880  }
0x17: {  	[spmem:s13], [sflag:s12] =	dma.local [hbm:s7], $0x500  }
0x18: {  	_ =	swait.ge [sflag:s10], $0x500  }
0x19: {  	[sflag:s10] =	ssyncset.done $0x0  }
0x1a: {  	[sflag:s10] =	ssyncadd.s32 $0xFFFFFB00  }
0x1b: {  	s18 =	simm.s32 $0x0;
	[bflag:$0x0] =	sbarrier.arrive $0xFFFF  }
0x1c: {  	[tilespmem:s15], [sflag:$0x1] =	stream.indirect.gather [hbm4b:s4+s14], $0x10, s18, s14, $0xb8;
	[tilespmem:$0x7F00] =	vst v63  }
0x1d: {  	_ =	swait.ge [sflag:s16], $0x800  }
0x1e: {  	[sflag:s16] =	ssyncset.done $0x0  }
0x1f: {  	s31 =	simm.s32 $0x2780;
	[sflag:s16] =	ssyncadd.s32 $0xFFFFF800  }
0x20: {  	[spmem:s2] =	stream.indirect.scatter.add.f32 [tilespmem:s15], [sflag:$0x2], $0x10, s31, s14, $0xb8;
	[tilespmem:$0x7F00] =	vst v63  }
0x21: {  	_ =	swait.ge [sflag:s10], $0x800  }
0x22: {  	s19 =	simm.s32 $0x400;
	s18 =	simm.s32 $0x200;
	[sflag:s10] =	ssyncset.done $0x0  }
.LBB2_2:
0x23: {  	s20 =	sshra.s32 s18, $0x2  }
0x24: {  	[sflag:s10] =	ssyncadd.s32 $0xFFFFF800;
	s18 =	smov.u32 s19;
	s21 =	sadd.s32 $0x200, s19  }
0x25: {  	[tilespmem:s15], [sflag:$0x1] =	stream.indirect.gather [hbm4b:s4+s14], $0x10, s20, s14, $0xb8;
	[tilespmem:$0x7F00] =	vst v63  }
0x26: {  	p0 =	sne.s32 s19, $0x9C00;
	_ =	swait.ge [sflag:s16], $0x800  }
.Ltmp0:
0x27: {  	[sflag:s16] =	ssyncset.done $0x0;
	(pc) =	sbr.rel @p0 .LBB2_2-.Ltmp0, $4  }
0x28: {  	s19 =	sadd.s32 $0x2780, s20;
	[sflag:s16] =	ssyncadd.s32 $0xFFFFF800  }
0x29: {  	[spmem:s2] =	stream.indirect.scatter.add.f32 [tilespmem:s15], [sflag:$0x2], $0x10, s19, s14, $0xb8;
	[tilespmem:$0x7F00] =	vst v63  }
0x2a: {  	_ =	swait.ge [sflag:s10], $0x800  }
0x2b: {  	s19 =	smov.u32 s21;
	[sflag:s10] =	ssyncset.done $0x0  }
0x2c: {  	s18 =	sshra.s32 s18, $0x2;
	[sflag:s10] =	ssyncadd.s32 $0xFFFFF800  }
0x2d: {  	[tilespmem:s15], [sflag:$0x1] =	stream.indirect.gather [hbm4b:s4+s14], $0x10, s18, s14, $0xb8;
	[tilespmem:$0x7F00] =	vst v63  }
0x2e: {  	_ =	swait.ge [sflag:s16], $0x800  }
0x2f: {  	[sflag:s16] =	ssyncset.done $0x0  }
0x30: {  	s18 =	sadd.s32 $0x2780, s18;
	[sflag:s16] =	ssyncadd.s32 $0xFFFFF800  }
0x31: {  	[spmem:s2] =	stream.indirect.scatter.add.f32 [tilespmem:s15], [sflag:$0x2], $0x10, s18, s14, $0xb8;
	[tilespmem:$0x7F00] =	vst v63  }
0x32: {  	_ =	swait.ge [sflag:s10], $0x800  }
0x33: {  	s17 =	sadd.s32 $0x1, s17;
	[sflag:s10] =	ssyncset.done $0x0  }
0x34: {  	p0 =	sne.s32 s17, s9;
	[sflag:s10] =	ssyncadd.s32 $0xFFFFF800  }
.Ltmp1:
0x35: {  	[bflag:$0x0] =	sbarrier.arrive $0xFFFF;
	(pc) =	sbr.rel @p0 .LBB2_1-.Ltmp1, $4  }
0x36: {  	[hbm:s8], [sflag:s12] =	dma.local [spmem:s13], $0x500  }
0x37: {  	_ =	swait.ge [sflag:s10], $0x500  }
0x38: {  	[sflag:s10] =	ssyncset.done $0x0  }
0x39: {  	[sflag:s10] =	ssyncadd.s32 $0xFFFFFB00  }
0x3a: {  	_ =	sfence.sel $0x180000  }
0x3b: {  	[bflag:$0x0] =	sbarrier.arrive $0xFFFF  }
0x3c: {  	p0 =	sne.s32 s0, $0x0;
	_ =	strace $0x90000053  }
0x3d: {  	s0 =	sadd.s32 @!p0 $0x100000, s1;
	[bflag:$0x2] =	sbarrier.arrive $0xFFFF  }
0x3e: {  	[sflag:s0] =	ssyncadd.tile.s32 @!p0 $0x1;
	_ =	shalt  }
.Lfunc_end2:
_tile_overlayer_lowered:
.L_overlay_start_2:
0x3f: {  	(tag) =	ssettag $0x2  }
0x40: {  	s0 =	rddreg [dreg:$0x0];
	s2 =	stileid.u32  }
0x41: {  	s1 =	rddreg [dreg:$0x1];
	p0 =	sne.s32 s2, $0x0  }
0x42: {  	s3 =	rddreg [dreg:$0x2];
	[bflag:$0x3] =	sbarrier.arrive $0xFFFF;
	s2 =	simm.s32 @!p0 $0x1C02  }
0x43: {  	[timem:s3], [sflag:s2] =	dma.local @!p0 [hbm:s0], s1  }
0x44: {  	s0 =	simm.s32 @!p0 $0x2  }
0x45: {  	_ =	swait.ge @!p0 [sflag:s0], s1  }
0x46: {  	s1 =	ssub.s32 @!p0 $0x0, s1;
	[sflag:s0] =	ssyncset.done @!p0 $0x0  }
0x47: {  	[sflag:s0] =	ssyncadd.s32 @!p0 s1  }
0x48: {  	[bflag:$0x3] =	sbarrier.arrive $0xFFFF  }
0x49: {  	_ =	shalt  }

</sc_bundles>
